<compile_context>
chip_gen: v7x
topology: tpu7x:2x2x1
jax: 0.10.2.dev20260603
libtpu: 0.0.44.dev20260713+nightly
codegen_flags: <defaults>
</compile_context>

<pallas_src>
import functools

import jax
import jax.numpy as jnp
from jax import lax
from jax.experimental import pallas as pl
from jax.experimental.pallas import tpu as pltpu
from jax.experimental.pallas import tpu_sc as plsc

_B = 4096
_L = 200
_D = 128
_N_TOTAL = _B * _L
_NC = 2
_NS = 16
_NW = _NC * _NS
_W = _N_TOTAL // _NW
_G = 128
_S = 4
_ROWS = _W // _G
_NOUT = _ROWS // _S


@jax.jit
def _gather(idx2d, table):
    mesh = plsc.VectorSubcoreMesh(core_axis_name="c", subcore_axis_name="s")

    @functools.partial(
        pl.kernel,
        mesh=mesh,
        out_type=jax.ShapeDtypeStruct((_N_TOTAL, _D), jnp.float32),
        scratch_types=[
            pltpu.VMEM((_S, _G), jnp.int32),
            pltpu.VMEM((_S, _G), jnp.int32),
            pltpu.VMEM((_S, _G, _D), jnp.float32),
            pltpu.SemaphoreType.DMA((2,)),
            pltpu.SemaphoreType.DMA((_S,)),
            pltpu.SemaphoreType.DMA((_S,)),
        ],
    )
    def k(idx_hbm, tab_hbm, out_hbm, idx_v0, idx_v1, rows_v, isem, gsem,
          osem):
        idx_bufs = (idx_v0, idx_v1)
        wid = lax.axis_index("s") * _NC + lax.axis_index("c")
        base_row = wid * _ROWS

        pltpu.async_copy(idx_hbm.at[pl.ds(base_row, _S)], idx_v0,
                         isem.at[0])
        pltpu.async_copy(idx_hbm.at[pl.ds(base_row + _S, _S)], idx_v1,
                         isem.at[1])

        def outer(mm, _):
            for p in range(2):
                m5 = 2 * mm + p
                row0 = base_row + m5 * _S
                pltpu.make_async_copy(
                    idx_hbm.at[pl.ds(row0, _S)], idx_bufs[p],
                    isem.at[p]).wait()
                for b in range(_S):
                    if p == 0:
                        @pl.when(mm > 0)
                        def _drain():
                            pltpu.make_async_copy(
                                rows_v.at[b],
                                out_hbm.at[pl.ds((row0 - _S + b) * _G, _G)],
                                osem.at[b]).wait()
                    else:
                        pltpu.make_async_copy(
                            rows_v.at[b],
                            out_hbm.at[pl.ds((row0 - _S + b) * _G, _G)],
                            osem.at[b]).wait()
                    pltpu.async_copy(tab_hbm.at[idx_bufs[p].at[b]],
                                     rows_v.at[b], gsem.at[b])
                for b in range(_S):
                    pltpu.make_async_copy(tab_hbm.at[idx_bufs[p].at[b]],
                                          rows_v.at[b], gsem.at[b]).wait()
                    pltpu.async_copy(rows_v.at[b],
                                     out_hbm.at[pl.ds((row0 + b) * _G, _G)],
                                     osem.at[b])
                @pl.when(mm < _NOUT // 2 - 1)
                def _prefetch():
                    pltpu.async_copy(
                        idx_hbm.at[pl.ds(row0 + 2 * _S, _S)], idx_bufs[p],
                        isem.at[p])
            return 0

        lax.fori_loop(0, _NOUT // 2, outer, 0)

        last_row0 = base_row + (_NOUT - 1) * _S
        for b in range(_S):
            pltpu.make_async_copy(
                rows_v.at[b],
                out_hbm.at[pl.ds((last_row0 + b) * _G, _G)],
                osem.at[b]).wait()

    return k(idx2d, table)


def kernel(word_idx, emb0, emb1):
    del emb1
    idx2d = word_idx.reshape(_N_TOTAL // _G, _G)
    out = _gather(idx2d, emb0)
    return out.reshape(_B, _L, _D)

# --- scband reference (transcript-rebuilt; emitter-appended) ---
"""Pipeline reference for scband-dhgnet-49692771615012 (READ-ONLY COPY).

The authoritative reference and input builder live on the scoring server;
editing this copy changes nothing except your own understanding.
"""

import jax, jax.numpy as jnp
import numpy as np

N_EMB0 = 100000  # offset[1]-offset[0] = num_embeddings (output vocab)
N_EMB1 = 50000   # offset[2]-offset[1]
N_HID = 128
PAD = 0
B = 4096
L = 200


def setup_inputs(seed: int = 0) -> dict:
    key = jax.random.key(seed)
    k1, k2, k3 = jax.random.split(key, 3)
    word_idx = jax.random.randint(k1, (B, L), 0, N_EMB0, dtype=jnp.int32)
    # CrossEmbedding without pretrain: nn.Embedding weights init uniform(-0.1, 0.1),
    # padding row zeroed for the first table (padding_idx=0).
    emb0 = jax.random.uniform(k2, (N_EMB0, N_HID), minval=-0.1, maxval=0.1, dtype=jnp.float32)
    emb0 = emb0.at[PAD].set(0.0)
    emb1 = jax.random.uniform(k3, (N_EMB1, N_HID), minval=-0.1, maxval=0.1, dtype=jnp.float32)
    return {"word_idx": word_idx, "emb0": emb0, "emb1": emb1}


def reference(word_idx, emb0, emb1):
    # DHGNet.forward with n_layers=0, eval mode (dropout = identity):
    # get_initial_node_features = concat of all CrossEmbedding tables
    features = jnp.concatenate([emb0, emb1], axis=0)
    # get_embedding: no graph convs, slice to num_embeddings, zero padding row
    weight = features[:N_EMB0]
    weight = weight.at[PAD].set(0.0)
    # F.embedding(word_idx, weight, padding_idx)
    out = jnp.take(weight, word_idx, axis=0)
    return out

if __name__ == "__main__":
    import jax
    _d = setup_inputs()
    print(jax.jit(kernel)(*tuple(_d.values())))

</pallas_src>

<mosaic_0001>
#map = affine_map<(d0, d1) -> (0, 0)>
module attributes {stable_mosaic.version = 14 : i64} {
  func.func @k(%arg0: i32, %arg1: i32, %arg2: memref<6400x128xi32, #tpu.memory_space<hbm>>, %arg3: memref<100000x128xf32, #tpu.memory_space<hbm>>, %arg4: memref<819200x128xf32, #tpu.memory_space<hbm>>, %arg5: memref<4x128xi32, #tpu.memory_space<vmem>>, %arg6: memref<4x128xi32, #tpu.memory_space<vmem>>, %arg7: memref<4x128x128xf32, #tpu.memory_space<vmem>>, %arg8: memref<2x!tpu.dma_semaphore, #tpu.memory_space<semaphore_mem>>, %arg9: memref<4x!tpu.dma_semaphore, #tpu.memory_space<semaphore_mem>>, %arg10: memref<4x!tpu.dma_semaphore, #tpu.memory_space<semaphore_mem>>) attributes {dimension_semantics = [#tpu.dimension_semantics<core_parallel>, #tpu.dimension_semantics<subcore_parallel>], iteration_bounds = array<i64: 2, 16>, scalar_prefetch = 0 : i64, scratch_operands = 6 : i64, tpu.core_type = #tpu.core_type<sc_vector_subcore>, window_params = [{transform_indices = #map}, {transform_indices = #map}, {transform_indices = #map}]} {
    %mul3A = arith.constant 2 : i32
    %mul3A_0 = arith.muli %arg1, %mul3A : i32
    %add3A = arith.addi %mul3A_0, %arg0 : i32
    %mul3A_1 = arith.constant 200 : i32
    %mul3A_2 = arith.muli %add3A, %mul3A_1 : i32
    %dma_start3A = arith.constant 0 : i32
    %dma_start3A_3 = arith.constant 0 : i32
    %dma_start3A_4 = tpu.memref_slice %arg2[%mul3A_2, %dma_start3A_3] : memref<6400x128xi32, #tpu.memory_space<hbm>> -> memref<4x128xi32, #tpu.memory_space<hbm>>
    %dma_start3A_5 = tpu.memref_slice %arg8[%dma_start3A] : memref<2x!tpu.dma_semaphore, #tpu.memory_space<semaphore_mem>> -> memref<1x!tpu.dma_semaphore, #tpu.memory_space<semaphore_mem>>
    %dma_start3A_6 = tpu.memref_squeeze %dma_start3A_5 : memref<1x!tpu.dma_semaphore, #tpu.memory_space<semaphore_mem>> -> memref<!tpu.dma_semaphore, #tpu.memory_space<semaphore_mem>>
    %dma_start3A_7 = arith.constant 0 : i32
    %dma_start3A_8 = tpu.memref_slice %arg2[%mul3A_2, %dma_start3A_7] : memref<6400x128xi32, #tpu.memory_space<hbm>> -> memref<4x128xi32, #tpu.memory_space<hbm>>
    tpu.enqueue_dma source(%dma_start3A_8 : memref<4x128xi32, #tpu.memory_space<hbm>>) target(%arg5 : memref<4x128xi32, #tpu.memory_space<vmem>>) target_semaphore(%dma_start3A_6 : memref<!tpu.dma_semaphore, #tpu.memory_space<semaphore_mem>>)
    %add3A_9 = arith.constant 4 : i32
    %add3A_10 = arith.addi %mul3A_2, %add3A_9 : i32
    %dma_start3A_11 = arith.constant 1 : i32
    %dma_start3A_12 = arith.constant 0 : i32
    %dma_start3A_13 = tpu.memref_slice %arg2[%add3A_10, %dma_start3A_12] : memref<6400x128xi32, #tpu.memory_space<hbm>> -> memref<4x128xi32, #tpu.memory_space<hbm>>
    %dma_start3A_14 = tpu.memref_slice %arg8[%dma_start3A_11] : memref<2x!tpu.dma_semaphore, #tpu.memory_space<semaphore_mem>> -> memref<1x!tpu.dma_semaphore, #tpu.memory_space<semaphore_mem>>
    %dma_start3A_15 = tpu.memref_squeeze %dma_start3A_14 : memref<1x!tpu.dma_semaphore, #tpu.memory_space<semaphore_mem>> -> memref<!tpu.dma_semaphore, #tpu.memory_space<semaphore_mem>>
    %dma_start3A_16 = arith.constant 0 : i32
    %dma_start3A_17 = tpu.memref_slice %arg2[%add3A_10, %dma_start3A_16] : memref<6400x128xi32, #tpu.memory_space<hbm>> -> memref<4x128xi32, #tpu.memory_space<hbm>>
    tpu.enqueue_dma source(%dma_start3A_17 : memref<4x128xi32, #tpu.memory_space<hbm>>) target(%arg6 : memref<4x128xi32, #tpu.memory_space<vmem>>) target_semaphore(%dma_start3A_15 : memref<!tpu.dma_semaphore, #tpu.memory_space<semaphore_mem>>)
    %scan3A = arith.constant 0 : i32
    %scan3A_18 = arith.constant 0 : i32
    %scan3A_19 = arith.constant 25 : i32
    %scan3A_20 = arith.addi %scan3A_18, %scan3A_19 : i32
    %scan3A_21 = arith.constant 1 : i32
    %scan3A_22 = scf.for %scan3A_105 = %scan3A_18 to %scan3A_20 step %scan3A_21 iter_args(%scan3A_106 = %scan3A) -> (i32)  : i32 {
      %mul3A_107 = arith.constant 2 : i32
      %mul3A_108 = arith.muli %mul3A_107, %scan3A_105 : i32
      %add3A_109 = arith.constant 0 : i32
      %add3A_110 = arith.addi %mul3A_108, %add3A_109 : i32
      %mul3A_111 = arith.constant 4 : i32
      %mul3A_112 = arith.muli %add3A_110, %mul3A_111 : i32
      %add3A_113 = arith.addi %mul3A_2, %mul3A_112 : i32
      %dma_wait3A_114 = arith.constant 0 : i32
      %dma_wait3A_115 = arith.constant 0 : i32
      %dma_wait3A_116 = tpu.memref_slice %arg2[%add3A_113, %dma_wait3A_115] : memref<6400x128xi32, #tpu.memory_space<hbm>> -> memref<4x128xi32, #tpu.memory_space<hbm>>
      %dma_wait3A_117 = tpu.memref_slice %arg8[%dma_wait3A_114] : memref<2x!tpu.dma_semaphore, #tpu.memory_space<semaphore_mem>> -> memref<1x!tpu.dma_semaphore, #tpu.memory_space<semaphore_mem>>
      %dma_wait3A_118 = tpu.memref_squeeze %dma_wait3A_117 : memref<1x!tpu.dma_semaphore, #tpu.memory_space<semaphore_mem>> -> memref<!tpu.dma_semaphore, #tpu.memory_space<semaphore_mem>>
      %dma_wait3A_119 = arith.constant 0 : i32
      %dma_wait3A_120 = tpu.memref_slice %arg2[%add3A_113, %dma_wait3A_119] : memref<6400x128xi32, #tpu.memory_space<hbm>> -> memref<4x128xi32, #tpu.memory_space<hbm>>
      tpu.wait_dma2 semaphore(%dma_wait3A_118 : memref<!tpu.dma_semaphore, #tpu.memory_space<semaphore_mem>>) src(%dma_wait3A_120 : memref<4x128xi32, #tpu.memory_space<hbm>>) dst(%arg5 : memref<4x128xi32, #tpu.memory_space<vmem>>)
      %gt3A = arith.constant 0 : i32
      %gt3A_121 = arith.cmpi sgt, %scan3A_105, %gt3A : i32
      %convert_element_type3A = arith.extui %gt3A_121 : i1 to i32
      %cond3A = arith.constant 0 : i32
      %cond3A_122 = arith.cmpi ne, %convert_element_type3A, %cond3A : i32
      scf.if %cond3A_122 {
        %sub3A_649 = arith.constant 4 : i32
        %sub3A_650 = arith.subi %add3A_113, %sub3A_649 : i32
        %add3A_651 = arith.constant 0 : i32
        %add3A_652 = arith.addi %sub3A_650, %add3A_651 : i32
        %mul3A_653 = arith.constant 128 : i32
        %mul3A_654 = arith.muli %add3A_652, %mul3A_653 : i32
        %dma_wait3A_655 = arith.constant 0 : i32
        %dma_wait3A_656 = arith.constant 0 : i32
        %dma_wait3A_657 = arith.constant 0 : i32
        %dma_wait3A_658 = arith.constant 0 : i32
        %dma_wait3A_659 = tpu.memref_slice %arg7[%dma_wait3A_655, %dma_wait3A_657, %dma_wait3A_658] : memref<4x128x128xf32, #tpu.memory_space<vmem>> -> memref<1x128x128xf32, #tpu.memory_space<vmem>>
        %dma_wait3A_660 = tpu.memref_squeeze %dma_wait3A_659 : memref<1x128x128xf32, #tpu.memory_space<vmem>> -> memref<128x128xf32, #tpu.memory_space<vmem>>
        %dma_wait3A_661 = arith.constant 0 : i32
        %dma_wait3A_662 = tpu.memref_slice %arg4[%mul3A_654, %dma_wait3A_661] : memref<819200x128xf32, #tpu.memory_space<hbm>> -> memref<128x128xf32, #tpu.memory_space<hbm>>
        %dma_wait3A_663 = tpu.memref_slice %arg10[%dma_wait3A_656] : memref<4x!tpu.dma_semaphore, #tpu.memory_space<semaphore_mem>> -> memref<1x!tpu.dma_semaphore, #tpu.memory_space<semaphore_mem>>
        %dma_wait3A_664 = tpu.memref_squeeze %dma_wait3A_663 : memref<1x!tpu.dma_semaphore, #tpu.memory_space<semaphore_mem>> -> memref<!tpu.dma_semaphore, #tpu.memory_space<semaphore_mem>>
        %dma_wait3A_665 = arith.constant 0 : i32
        %dma_wait3A_666 = tpu.memref_slice %arg4[%mul3A_654, %dma_wait3A_665] : memref<819200x128xf32, #tpu.memory_space<hbm>> -> memref<128x128xf32, #tpu.memory_space<hbm>>
        %dma_wait3A_667 = arith.constant 0 : i32
        %dma_wait3A_668 = arith.constant 0 : i32
        %dma_wait3A_669 = tpu.memref_slice %arg7[%dma_wait3A_655, %dma_wait3A_667, %dma_wait3A_668] : memref<4x128x128xf32, #tpu.memory_space<vmem>> -> memref<1x128x128xf32, #tpu.memory_space<vmem>>
        %dma_wait3A_670 = tpu.memref_squeeze %dma_wait3A_669 : memref<1x128x128xf32, #tpu.memory_space<vmem>> -> memref<128x128xf32, #tpu.memory_space<vmem>>
        tpu.wait_dma2 semaphore(%dma_wait3A_664 : memref<!tpu.dma_semaphore, #tpu.memory_space<semaphore_mem>>) src(%dma_wait3A_670 : memref<128x128xf32, #tpu.memory_space<vmem>>) dst(%dma_wait3A_666 : memref<128x128xf32, #tpu.memory_space<hbm>>)
      } else {
      }
      %dma_start3A_123 = arith.constant 0 : i32
      %dma_start3A_124 = arith.constant 0 : i32
      %dma_start3A_125 = arith.constant 0 : i32
      %dma_start3A_126 = arith.constant 0 : i32
      %dma_start3A_127 = arith.constant 0 : i32
      %dma_start3A_128 = tpu.memref_slice %arg7[%dma_start3A_124, %dma_start3A_126, %dma_start3A_127] : memref<4x128x128xf32, #tpu.memory_space<vmem>> -> memref<1x128x128xf32, #tpu.memory_space<vmem>>
      %dma_start3A_129 = tpu.memref_squeeze %dma_start3A_128 : memref<1x128x128xf32, #tpu.memory_space<vmem>> -> memref<128x128xf32, #tpu.memory_space<vmem>>
      %dma_start3A_130 = arith.constant 0 : i32
      %dma_start3A_131 = tpu.memref_slice %arg5[%dma_start3A_123, %dma_start3A_130] : memref<4x128xi32, #tpu.memory_space<vmem>> -> memref<1x128xi32, #tpu.memory_space<vmem>>
      %dma_start3A_132 = tpu.memref_squeeze %dma_start3A_131 : memref<1x128xi32, #tpu.memory_space<vmem>> -> memref<128xi32, #tpu.memory_space<vmem>>
      %dma_start3A_133 = arith.constant 0 : i32
      %dma_start3A_134 = arith.constant 0 : i32
      %dma_start3A_135 = tpu.memref_slice %arg3[%dma_start3A_133, %dma_start3A_134] : memref<100000x128xf32, #tpu.memory_space<hbm>> -> memref<100000x128xf32, #tpu.memory_space<hbm>>
      %dma_start3A_136 = tpu.memref_slice %arg9[%dma_start3A_125] : memref<4x!tpu.dma_semaphore, #tpu.memory_space<semaphore_mem>> -> memref<1x!tpu.dma_semaphore, #tpu.memory_space<semaphore_mem>>
      %dma_start3A_137 = tpu.memref_squeeze %dma_start3A_136 : memref<1x!tpu.dma_semaphore, #tpu.memory_space<semaphore_mem>> -> memref<!tpu.dma_semaphore, #tpu.memory_space<semaphore_mem>>
      tpu.enqueue_indirect_dma source(%dma_start3A_135 : memref<100000x128xf32, #tpu.memory_space<hbm>>) target(%dma_start3A_129 : memref<128x128xf32, #tpu.memory_space<vmem>>) offsets(%dma_start3A_132 : memref<128xi32, #tpu.memory_space<vmem>>) semaphore(%dma_start3A_137 : memref<!tpu.dma_semaphore, #tpu.memory_space<semaphore_mem>>)
      %gt3A_138 = arith.constant 0 : i32
      %gt3A_139 = arith.cmpi sgt, %scan3A_105, %gt3A_138 : i32
      %convert_element_type3A_140 = arith.extui %gt3A_139 : i1 to i32
      %cond3A_141 = arith.constant 0 : i32
      %cond3A_142 = arith.cmpi ne, %convert_element_type3A_140, %cond3A_141 : i32
      scf.if %cond3A_142 {
        %sub3A_649 = arith.constant 4 : i32
        %sub3A_650 = arith.subi %add3A_113, %sub3A_649 : i32
        %add3A_651 = arith.constant 1 : i32
        %add3A_652 = arith.addi %sub3A_650, %add3A_651 : i32
        %mul3A_653 = arith.constant 128 : i32
        %mul3A_654 = arith.muli %add3A_652, %mul3A_653 : i32
        %dma_wait3A_655 = arith.constant 1 : i32
        %dma_wait3A_656 = arith.constant 1 : i32
        %dma_wait3A_657 = arith.constant 0 : i32
        %dma_wait3A_658 = arith.constant 0 : i32
        %dma_wait3A_659 = tpu.memref_slice %arg7[%dma_wait3A_655, %dma_wait3A_657, %dma_wait3A_658] : memref<4x128x128xf32, #tpu.memory_space<vmem>> -> memref<1x128x128xf32, #tpu.memory_space<vmem>>
        %dma_wait3A_660 = tpu.memref_squeeze %dma_wait3A_659 : memref<1x128x128xf32, #tpu.memory_space<vmem>> -> memref<128x128xf32, #tpu.memory_space<vmem>>
        %dma_wait3A_661 = arith.constant 0 : i32
        %dma_wait3A_662 = tpu.memref_slice %arg4[%mul3A_654, %dma_wait3A_661] : memref<819200x128xf32, #tpu.memory_space<hbm>> -> memref<128x128xf32, #tpu.memory_space<hbm>>
        %dma_wait3A_663 = tpu.memref_slice %arg10[%dma_wait3A_656] : memref<4x!tpu.dma_semaphore, #tpu.memory_space<semaphore_mem>> -> memref<1x!tpu.dma_semaphore, #tpu.memory_space<semaphore_mem>>
        %dma_wait3A_664 = tpu.memref_squeeze %dma_wait3A_663 : memref<1x!tpu.dma_semaphore, #tpu.memory_space<semaphore_mem>> -> memref<!tpu.dma_semaphore, #tpu.memory_space<semaphore_mem>>
        %dma_wait3A_665 = arith.constant 0 : i32
        %dma_wait3A_666 = tpu.memref_slice %arg4[%mul3A_654, %dma_wait3A_665] : memref<819200x128xf32, #tpu.memory_space<hbm>> -> memref<128x128xf32, #tpu.memory_space<hbm>>
        %dma_wait3A_667 = arith.constant 0 : i32
        %dma_wait3A_668 = arith.constant 0 : i32
        %dma_wait3A_669 = tpu.memref_slice %arg7[%dma_wait3A_655, %dma_wait3A_667, %dma_wait3A_668] : memref<4x128x128xf32, #tpu.memory_space<vmem>> -> memref<1x128x128xf32, #tpu.memory_space<vmem>>
        %dma_wait3A_670 = tpu.memref_squeeze %dma_wait3A_669 : memref<1x128x128xf32, #tpu.memory_space<vmem>> -> memref<128x128xf32, #tpu.memory_space<vmem>>
        tpu.wait_dma2 semaphore(%dma_wait3A_664 : memref<!tpu.dma_semaphore, #tpu.memory_space<semaphore_mem>>) src(%dma_wait3A_670 : memref<128x128xf32, #tpu.memory_space<vmem>>) dst(%dma_wait3A_666 : memref<128x128xf32, #tpu.memory_space<hbm>>)
      } else {
      }
      %dma_start3A_143 = arith.constant 1 : i32
      %dma_start3A_144 = arith.constant 1 : i32
      %dma_start3A_145 = arith.constant 1 : i32
      %dma_start3A_146 = arith.constant 0 : i32
      %dma_start3A_147 = arith.constant 0 : i32
      %dma_start3A_148 = tpu.memref_slice %arg7[%dma_start3A_144, %dma_start3A_146, %dma_start3A_147] : memref<4x128x128xf32, #tpu.memory_space<vmem>> -> memref<1x128x128xf32, #tpu.memory_space<vmem>>
      %dma_start3A_149 = tpu.memref_squeeze %dma_start3A_148 : memref<1x128x128xf32, #tpu.memory_space<vmem>> -> memref<128x128xf32, #tpu.memory_space<vmem>>
      %dma_start3A_150 = arith.constant 0 : i32
      %dma_start3A_151 = tpu.memref_slice %arg5[%dma_start3A_143, %dma_start3A_150] : memref<4x128xi32, #tpu.memory_space<vmem>> -> memref<1x128xi32, #tpu.memory_space<vmem>>
      %dma_start3A_152 = tpu.memref_squeeze %dma_start3A_151 : memref<1x128xi32, #tpu.memory_space<vmem>> -> memref<128xi32, #tpu.memory_space<vmem>>
      %dma_start3A_153 = arith.constant 0 : i32
      %dma_start3A_154 = arith.constant 0 : i32
      %dma_start3A_155 = tpu.memref_slice %arg3[%dma_start3A_153, %dma_start3A_154] : memref<100000x128xf32, #tpu.memory_space<hbm>> -> memref<100000x128xf32, #tpu.memory_space<hbm>>
      %dma_start3A_156 = tpu.memref_slice %arg9[%dma_start3A_145] : memref<4x!tpu.dma_semaphore, #tpu.memory_space<semaphore_mem>> -> memref<1x!tpu.dma_semaphore, #tpu.memory_space<semaphore_mem>>
      %dma_start3A_157 = tpu.memref_squeeze %dma_start3A_156 : memref<1x!tpu.dma_semaphore, #tpu.memory_space<semaphore_mem>> -> memref<!tpu.dma_semaphore, #tpu.memory_space<semaphore_mem>>
      tpu.enqueue_indirect_dma source(%dma_start3A_155 : memref<100000x128xf32, #tpu.memory_space<hbm>>) target(%dma_start3A_149 : memref<128x128xf32, #tpu.memory_space<vmem>>) offsets(%dma_start3A_152 : memref<128xi32, #tpu.memory_space<vmem>>) semaphore(%dma_start3A_157 : memref<!tpu.dma_semaphore, #tpu.memory_space<semaphore_mem>>)
      %gt3A_158 = arith.constant 0 : i32
      %gt3A_159 = arith.cmpi sgt, %scan3A_105, %gt3A_158 : i32
      %convert_element_type3A_160 = arith.extui %gt3A_159 : i1 to i32
      %cond3A_161 = arith.constant 0 : i32
      %cond3A_162 = arith.cmpi ne, %convert_element_type3A_160, %cond3A_161 : i32
      scf.if %cond3A_162 {
        %sub3A_649 = arith.constant 4 : i32
        %sub3A_650 = arith.subi %add3A_113, %sub3A_649 : i32
        %add3A_651 = arith.constant 2 : i32
        %add3A_652 = arith.addi %sub3A_650, %add3A_651 : i32
        %mul3A_653 = arith.constant 128 : i32
        %mul3A_654 = arith.muli %add3A_652, %mul3A_653 : i32
        %dma_wait3A_655 = arith.constant 2 : i32
        %dma_wait3A_656 = arith.constant 2 : i32
        %dma_wait3A_657 = arith.constant 0 : i32
        %dma_wait3A_658 = arith.constant 0 : i32
        %dma_wait3A_659 = tpu.memref_slice %arg7[%dma_wait3A_655, %dma_wait3A_657, %dma_wait3A_658] : memref<4x128x128xf32, #tpu.memory_space<vmem>> -> memref<1x128x128xf32, #tpu.memory_space<vmem>>
        %dma_wait3A_660 = tpu.memref_squeeze %dma_wait3A_659 : memref<1x128x128xf32, #tpu.memory_space<vmem>> -> memref<128x128xf32, #tpu.memory_space<vmem>>
        %dma_wait3A_661 = arith.constant 0 : i32
        %dma_wait3A_662 = tpu.memref_slice %arg4[%mul3A_654, %dma_wait3A_661] : memref<819200x128xf32, #tpu.memory_space<hbm>> -> memref<128x128xf32, #tpu.memory_space<hbm>>
        %dma_wait3A_663 = tpu.memref_slice %arg10[%dma_wait3A_656] : memref<4x!tpu.dma_semaphore, #tpu.memory_space<semaphore_mem>> -> memref<1x!tpu.dma_semaphore, #tpu.memory_space<semaphore_mem>>
        %dma_wait3A_664 = tpu.memref_squeeze %dma_wait3A_663 : memref<1x!tpu.dma_semaphore, #tpu.memory_space<semaphore_mem>> -> memref<!tpu.dma_semaphore, #tpu.memory_space<semaphore_mem>>
        %dma_wait3A_665 = arith.constant 0 : i32
        %dma_wait3A_666 = tpu.memref_slice %arg4[%mul3A_654, %dma_wait3A_665] : memref<819200x128xf32, #tpu.memory_space<hbm>> -> memref<128x128xf32, #tpu.memory_space<hbm>>
        %dma_wait3A_667 = arith.constant 0 : i32
        %dma_wait3A_668 = arith.constant 0 : i32
        %dma_wait3A_669 = tpu.memref_slice %arg7[%dma_wait3A_655, %dma_wait3A_667, %dma_wait3A_668] : memref<4x128x128xf32, #tpu.memory_space<vmem>> -> memref<1x128x128xf32, #tpu.memory_space<vmem>>
        %dma_wait3A_670 = tpu.memref_squeeze %dma_wait3A_669 : memref<1x128x128xf32, #tpu.memory_space<vmem>> -> memref<128x128xf32, #tpu.memory_space<vmem>>
        tpu.wait_dma2 semaphore(%dma_wait3A_664 : memref<!tpu.dma_semaphore, #tpu.memory_space<semaphore_mem>>) src(%dma_wait3A_670 : memref<128x128xf32, #tpu.memory_space<vmem>>) dst(%dma_wait3A_666 : memref<128x128xf32, #tpu.memory_space<hbm>>)
      } else {
      }
      %dma_start3A_163 = arith.constant 2 : i32
      %dma_start3A_164 = arith.constant 2 : i32
      %dma_start3A_165 = arith.constant 2 : i32
      %dma_start3A_166 = arith.constant 0 : i32
      %dma_start3A_167 = arith.constant 0 : i32
      %dma_start3A_168 = tpu.memref_slice %arg7[%dma_start3A_164, %dma_start3A_166, %dma_start3A_167] : memref<4x128x128xf32, #tpu.memory_space<vmem>> -> memref<1x128x128xf32, #tpu.memory_space<vmem>>
      %dma_start3A_169 = tpu.memref_squeeze %dma_start3A_168 : memref<1x128x128xf32, #tpu.memory_space<vmem>> -> memref<128x128xf32, #tpu.memory_space<vmem>>
      %dma_start3A_170 = arith.constant 0 : i32
      %dma_start3A_171 = tpu.memref_slice %arg5[%dma_start3A_163, %dma_start3A_170] : memref<4x128xi32, #tpu.memory_space<vmem>> -> memref<1x128xi32, #tpu.memory_space<vmem>>
      %dma_start3A_172 = tpu.memref_squeeze %dma_start3A_171 : memref<1x128xi32, #tpu.memory_space<vmem>> -> memref<128xi32, #tpu.memory_space<vmem>>
      %dma_start3A_173 = arith.constant 0 : i32
      %dma_start3A_174 = arith.constant 0 : i32
      %dma_start3A_175 = tpu.memref_slice %arg3[%dma_start3A_173, %dma_start3A_174] : memref<100000x128xf32, #tpu.memory_space<hbm>> -> memref<100000x128xf32, #tpu.memory_space<hbm>>
      %dma_start3A_176 = tpu.memref_slice %arg9[%dma_start3A_165] : memref<4x!tpu.dma_semaphore, #tpu.memory_space<semaphore_mem>> -> memref<1x!tpu.dma_semaphore, #tpu.memory_space<semaphore_mem>>
      %dma_start3A_177 = tpu.memref_squeeze %dma_start3A_176 : memref<1x!tpu.dma_semaphore, #tpu.memory_space<semaphore_mem>> -> memref<!tpu.dma_semaphore, #tpu.memory_space<semaphore_mem>>
      tpu.enqueue_indirect_dma source(%dma_start3A_175 : memref<100000x128xf32, #tpu.memory_space<hbm>>) target(%dma_start3A_169 : memref<128x128xf32, #tpu.memory_space<vmem>>) offsets(%dma_start3A_172 : memref<128xi32, #tpu.memory_space<vmem>>) semaphore(%dma_start3A_177 : memref<!tpu.dma_semaphore, #tpu.memory_space<semaphore_mem>>)
      %gt3A_178 = arith.constant 0 : i32
      %gt3A_179 = arith.cmpi sgt, %scan3A_105, %gt3A_178 : i32
      %convert_element_type3A_180 = arith.extui %gt3A_179 : i1 to i32
      %cond3A_181 = arith.constant 0 : i32
      %cond3A_182 = arith.cmpi ne, %convert_element_type3A_180, %cond3A_181 : i32
      scf.if %cond3A_182 {
        %sub3A_649 = arith.constant 4 : i32
        %sub3A_650 = arith.subi %add3A_113, %sub3A_649 : i32
        %add3A_651 = arith.constant 3 : i32
        %add3A_652 = arith.addi %sub3A_650, %add3A_651 : i32
        %mul3A_653 = arith.constant 128 : i32
        %mul3A_654 = arith.muli %add3A_652, %mul3A_653 : i32
        %dma_wait3A_655 = arith.constant 3 : i32
        %dma_wait3A_656 = arith.constant 3 : i32
        %dma_wait3A_657 = arith.constant 0 : i32
        %dma_wait3A_658 = arith.constant 0 : i32
        %dma_wait3A_659 = tpu.memref_slice %arg7[%dma_wait3A_655, %dma_wait3A_657, %dma_wait3A_658] : memref<4x128x128xf32, #tpu.memory_space<vmem>> -> memref<1x128x128xf32, #tpu.memory_space<vmem>>
        %dma_wait3A_660 = tpu.memref_squeeze %dma_wait3A_659 : memref<1x128x128xf32, #tpu.memory_space<vmem>> -> memref<128x128xf32, #tpu.memory_space<vmem>>
        %dma_wait3A_661 = arith.constant 0 : i32
        %dma_wait3A_662 = tpu.memref_slice %arg4[%mul3A_654, %dma_wait3A_661] : memref<819200x128xf32, #tpu.memory_space<hbm>> -> memref<128x128xf32, #tpu.memory_space<hbm>>
        %dma_wait3A_663 = tpu.memref_slice %arg10[%dma_wait3A_656] : memref<4x!tpu.dma_semaphore, #tpu.memory_space<semaphore_mem>> -> memref<1x!tpu.dma_semaphore, #tpu.memory_space<semaphore_mem>>
        %dma_wait3A_664 = tpu.memref_squeeze %dma_wait3A_663 : memref<1x!tpu.dma_semaphore, #tpu.memory_space<semaphore_mem>> -> memref<!tpu.dma_semaphore, #tpu.memory_space<semaphore_mem>>
        %dma_wait3A_665 = arith.constant 0 : i32
        %dma_wait3A_666 = tpu.memref_slice %arg4[%mul3A_654, %dma_wait3A_665] : memref<819200x128xf32, #tpu.memory_space<hbm>> -> memref<128x128xf32, #tpu.memory_space<hbm>>
        %dma_wait3A_667 = arith.constant 0 : i32
        %dma_wait3A_668 = arith.constant 0 : i32
        %dma_wait3A_669 = tpu.memref_slice %arg7[%dma_wait3A_655, %dma_wait3A_667, %dma_wait3A_668] : memref<4x128x128xf32, #tpu.memory_space<vmem>> -> memref<1x128x128xf32, #tpu.memory_space<vmem>>
        %dma_wait3A_670 = tpu.memref_squeeze %dma_wait3A_669 : memref<1x128x128xf32, #tpu.memory_space<vmem>> -> memref<128x128xf32, #tpu.memory_space<vmem>>
        tpu.wait_dma2 semaphore(%dma_wait3A_664 : memref<!tpu.dma_semaphore, #tpu.memory_space<semaphore_mem>>) src(%dma_wait3A_670 : memref<128x128xf32, #tpu.memory_space<vmem>>) dst(%dma_wait3A_666 : memref<128x128xf32, #tpu.memory_space<hbm>>)
      } else {
      }
      %dma_start3A_183 = arith.constant 3 : i32
      %dma_start3A_184 = arith.constant 3 : i32
      %dma_start3A_185 = arith.constant 3 : i32
      %dma_start3A_186 = arith.constant 0 : i32
      %dma_start3A_187 = arith.constant 0 : i32
      %dma_start3A_188 = tpu.memref_slice %arg7[%dma_start3A_184, %dma_start3A_186, %dma_start3A_187] : memref<4x128x128xf32, #tpu.memory_space<vmem>> -> memref<1x128x128xf32, #tpu.memory_space<vmem>>
      %dma_start3A_189 = tpu.memref_squeeze %dma_start3A_188 : memref<1x128x128xf32, #tpu.memory_space<vmem>> -> memref<128x128xf32, #tpu.memory_space<vmem>>
      %dma_start3A_190 = arith.constant 0 : i32
      %dma_start3A_191 = tpu.memref_slice %arg5[%dma_start3A_183, %dma_start3A_190] : memref<4x128xi32, #tpu.memory_space<vmem>> -> memref<1x128xi32, #tpu.memory_space<vmem>>
      %dma_start3A_192 = tpu.memref_squeeze %dma_start3A_191 : memref<1x128xi32, #tpu.memory_space<vmem>> -> memref<128xi32, #tpu.memory_space<vmem>>
      %dma_start3A_193 = arith.constant 0 : i32
      %dma_start3A_194 = arith.constant 0 : i32
      %dma_start3A_195 = tpu.memref_slice %arg3[%dma_start3A_193, %dma_start3A_194] : memref<100000x128xf32, #tpu.memory_space<hbm>> -> memref<100000x128xf32, #tpu.memory_space<hbm>>
      %dma_start3A_196 = tpu.memref_slice %arg9[%dma_start3A_185] : memref<4x!tpu.dma_semaphore, #tpu.memory_space<semaphore_mem>> -> memref<1x!tpu.dma_semaphore, #tpu.memory_space<semaphore_mem>>
      %dma_start3A_197 = tpu.memref_squeeze %dma_start3A_196 : memref<1x!tpu.dma_semaphore, #tpu.memory_space<semaphore_mem>> -> memref<!tpu.dma_semaphore, #tpu.memory_space<semaphore_mem>>
      tpu.enqueue_indirect_dma source(%dma_start3A_195 : memref<100000x128xf32, #tpu.memory_space<hbm>>) target(%dma_start3A_189 : memref<128x128xf32, #tpu.memory_space<vmem>>) offsets(%dma_start3A_192 : memref<128xi32, #tpu.memory_space<vmem>>) semaphore(%dma_start3A_197 : memref<!tpu.dma_semaphore, #tpu.memory_space<semaphore_mem>>)
      %dma_wait3A_198 = arith.constant 0 : i32
      %dma_wait3A_199 = arith.constant 0 : i32
      %dma_wait3A_200 = arith.constant 0 : i32
      %dma_wait3A_201 = arith.constant 0 : i32
      %dma_wait3A_202 = arith.constant 0 : i32
      %dma_wait3A_203 = tpu.memref_slice %arg7[%dma_wait3A_199, %dma_wait3A_201, %dma_wait3A_202] : memref<4x128x128xf32, #tpu.memory_space<vmem>> -> memref<1x128x128xf32, #tpu.memory_space<vmem>>
      %dma_wait3A_204 = tpu.memref_squeeze %dma_wait3A_203 : memref<1x128x128xf32, #tpu.memory_space<vmem>> -> memref<128x128xf32, #tpu.memory_space<vmem>>
      %dma_wait3A_205 = arith.constant 0 : i32
      %dma_wait3A_206 = tpu.memref_slice %arg5[%dma_wait3A_198, %dma_wait3A_205] : memref<4x128xi32, #tpu.memory_space<vmem>> -> memref<1x128xi32, #tpu.memory_space<vmem>>
      %dma_wait3A_207 = tpu.memref_squeeze %dma_wait3A_206 : memref<1x128xi32, #tpu.memory_space<vmem>> -> memref<128xi32, #tpu.memory_space<vmem>>
      %dma_wait3A_208 = arith.constant 0 : i32
      %dma_wait3A_209 = arith.constant 0 : i32
      %dma_wait3A_210 = tpu.memref_slice %arg3[%dma_wait3A_208, %dma_wait3A_209] : memref<100000x128xf32, #tpu.memory_space<hbm>> -> memref<100000x128xf32, #tpu.memory_space<hbm>>
      %dma_wait3A_211 = tpu.memref_slice %arg9[%dma_wait3A_200] : memref<4x!tpu.dma_semaphore, #tpu.memory_space<semaphore_mem>> -> memref<1x!tpu.dma_semaphore, #tpu.memory_space<semaphore_mem>>
      %dma_wait3A_212 = tpu.memref_squeeze %dma_wait3A_211 : memref<1x!tpu.dma_semaphore, #tpu.memory_space<semaphore_mem>> -> memref<!tpu.dma_semaphore, #tpu.memory_space<semaphore_mem>>
      tpu.wait_indirect_dma semaphore(%dma_wait3A_212 : memref<!tpu.dma_semaphore, #tpu.memory_space<semaphore_mem>>) src(%dma_wait3A_210 : memref<100000x128xf32, #tpu.memory_space<hbm>>) dst(%dma_wait3A_204 : memref<128x128xf32, #tpu.memory_space<vmem>>)
      %add3A_213 = arith.constant 0 : i32
      %add3A_214 = arith.addi %add3A_113, %add3A_213 : i32
      %mul3A_215 = arith.constant 128 : i32
      %mul3A_216 = arith.muli %add3A_214, %mul3A_215 : i32
      %dma_start3A_217 = arith.constant 0 : i32
      %dma_start3A_218 = arith.constant 0 : i32
      %dma_start3A_219 = arith.constant 0 : i32
      %dma_start3A_220 = arith.constant 0 : i32
      %dma_start3A_221 = tpu.memref_slice %arg7[%dma_start3A_217, %dma_start3A_219, %dma_start3A_220] : memref<4x128x128xf32, #tpu.memory_space<vmem>> -> memref<1x128x128xf32, #tpu.memory_space<vmem>>
      %dma_start3A_222 = tpu.memref_squeeze %dma_start3A_221 : memref<1x128x128xf32, #tpu.memory_space<vmem>> -> memref<128x128xf32, #tpu.memory_space<vmem>>
      %dma_start3A_223 = arith.constant 0 : i32
      %dma_start3A_224 = tpu.memref_slice %arg4[%mul3A_216, %dma_start3A_223] : memref<819200x128xf32, #tpu.memory_space<hbm>> -> memref<128x128xf32, #tpu.memory_space<hbm>>
      %dma_start3A_225 = tpu.memref_slice %arg10[%dma_start3A_218] : memref<4x!tpu.dma_semaphore, #tpu.memory_space<semaphore_mem>> -> memref<1x!tpu.dma_semaphore, #tpu.memory_space<semaphore_mem>>
      %dma_start3A_226 = tpu.memref_squeeze %dma_start3A_225 : memref<1x!tpu.dma_semaphore, #tpu.memory_space<semaphore_mem>> -> memref<!tpu.dma_semaphore, #tpu.memory_space<semaphore_mem>>
      %dma_start3A_227 = arith.constant 0 : i32
      %dma_start3A_228 = tpu.memref_slice %arg4[%mul3A_216, %dma_start3A_227] : memref<819200x128xf32, #tpu.memory_space<hbm>> -> memref<128x128xf32, #tpu.memory_space<hbm>>
      %dma_start3A_229 = arith.constant 0 : i32
      %dma_start3A_230 = arith.constant 0 : i32
      %dma_start3A_231 = tpu.memref_slice %arg7[%dma_start3A_217, %dma_start3A_229, %dma_start3A_230] : memref<4x128x128xf32, #tpu.memory_space<vmem>> -> memref<1x128x128xf32, #tpu.memory_space<vmem>>
      %dma_start3A_232 = tpu.memref_squeeze %dma_start3A_231 : memref<1x128x128xf32, #tpu.memory_space<vmem>> -> memref<128x128xf32, #tpu.memory_space<vmem>>
      tpu.enqueue_dma source(%dma_start3A_232 : memref<128x128xf32, #tpu.memory_space<vmem>>) target(%dma_start3A_228 : memref<128x128xf32, #tpu.memory_space<hbm>>) target_semaphore(%dma_start3A_226 : memref<!tpu.dma_semaphore, #tpu.memory_space<semaphore_mem>>)
      %dma_wait3A_233 = arith.constant 1 : i32
      %dma_wait3A_234 = arith.constant 1 : i32
      %dma_wait3A_235 = arith.constant 1 : i32
      %dma_wait3A_236 = arith.constant 0 : i32
      %dma_wait3A_237 = arith.constant 0 : i32
      %dma_wait3A_238 = tpu.memref_slice %arg7[%dma_wait3A_234, %dma_wait3A_236, %dma_wait3A_237] : memref<4x128x128xf32, #tpu.memory_space<vmem>> -> memref<1x128x128xf32, #tpu.memory_space<vmem>>
      %dma_wait3A_239 = tpu.memref_squeeze %dma_wait3A_238 : memref<1x128x128xf32, #tpu.memory_space<vmem>> -> memref<128x128xf32, #tpu.memory_space<vmem>>
      %dma_wait3A_240 = arith.constant 0 : i32
      %dma_wait3A_241 = tpu.memref_slice %arg5[%dma_wait3A_233, %dma_wait3A_240] : memref<4x128xi32, #tpu.memory_space<vmem>> -> memref<1x128xi32, #tpu.memory_space<vmem>>
      %dma_wait3A_242 = tpu.memref_squeeze %dma_wait3A_241 : memref<1x128xi32, #tpu.memory_space<vmem>> -> memref<128xi32, #tpu.memory_space<vmem>>
      %dma_wait3A_243 = arith.constant 0 : i32
      %dma_wait3A_244 = arith.constant 0 : i32
      %dma_wait3A_245 = tpu.memref_slice %arg3[%dma_wait3A_243, %dma_wait3A_244] : memref<100000x128xf32, #tpu.memory_space<hbm>> -> memref<100000x128xf32, #tpu.memory_space<hbm>>
      %dma_wait3A_246 = tpu.memref_slice %arg9[%dma_wait3A_235] : memref<4x!tpu.dma_semaphore, #tpu.memory_space<semaphore_mem>> -> memref<1x!tpu.dma_semaphore, #tpu.memory_space<semaphore_mem>>
      %dma_wait3A_247 = tpu.memref_squeeze %dma_wait3A_246 : memref<1x!tpu.dma_semaphore, #tpu.memory_space<semaphore_mem>> -> memref<!tpu.dma_semaphore, #tpu.memory_space<semaphore_mem>>
      tpu.wait_indirect_dma semaphore(%dma_wait3A_247 : memref<!tpu.dma_semaphore, #tpu.memory_space<semaphore_mem>>) src(%dma_wait3A_245 : memref<100000x128xf32, #tpu.memory_space<hbm>>) dst(%dma_wait3A_239 : memref<128x128xf32, #tpu.memory_space<vmem>>)
      %add3A_248 = arith.constant 1 : i32
      %add3A_249 = arith.addi %add3A_113, %add3A_248 : i32
      %mul3A_250 = arith.constant 128 : i32
      %mul3A_251 = arith.muli %add3A_249, %mul3A_250 : i32
      %dma_start3A_252 = arith.constant 1 : i32
      %dma_start3A_253 = arith.constant 1 : i32
      %dma_start3A_254 = arith.constant 0 : i32
      %dma_start3A_255 = arith.constant 0 : i32
      %dma_start3A_256 = tpu.memref_slice %arg7[%dma_start3A_252, %dma_start3A_254, %dma_start3A_255] : memref<4x128x128xf32, #tpu.memory_space<vmem>> -> memref<1x128x128xf32, #tpu.memory_space<vmem>>
      %dma_start3A_257 = tpu.memref_squeeze %dma_start3A_256 : memref<1x128x128xf32, #tpu.memory_space<vmem>> -> memref<128x128xf32, #tpu.memory_space<vmem>>
      %dma_start3A_258 = arith.constant 0 : i32
      %dma_start3A_259 = tpu.memref_slice %arg4[%mul3A_251, %dma_start3A_258] : memref<819200x128xf32, #tpu.memory_space<hbm>> -> memref<128x128xf32, #tpu.memory_space<hbm>>
      %dma_start3A_260 = tpu.memref_slice %arg10[%dma_start3A_253] : memref<4x!tpu.dma_semaphore, #tpu.memory_space<semaphore_mem>> -> memref<1x!tpu.dma_semaphore, #tpu.memory_space<semaphore_mem>>
      %dma_start3A_261 = tpu.memref_squeeze %dma_start3A_260 : memref<1x!tpu.dma_semaphore, #tpu.memory_space<semaphore_mem>> -> memref<!tpu.dma_semaphore, #tpu.memory_space<semaphore_mem>>
      %dma_start3A_262 = arith.constant 0 : i32
      %dma_start3A_263 = tpu.memref_slice %arg4[%mul3A_251, %dma_start3A_262] : memref<819200x128xf32, #tpu.memory_space<hbm>> -> memref<128x128xf32, #tpu.memory_space<hbm>>
      %dma_start3A_264 = arith.constant 0 : i32
      %dma_start3A_265 = arith.constant 0 : i32
      %dma_start3A_266 = tpu.memref_slice %arg7[%dma_start3A_252, %dma_start3A_264, %dma_start3A_265] : memref<4x128x128xf32, #tpu.memory_space<vmem>> -> memref<1x128x128xf32, #tpu.memory_space<vmem>>
      %dma_start3A_267 = tpu.memref_squeeze %dma_start3A_266 : memref<1x128x128xf32, #tpu.memory_space<vmem>> -> memref<128x128xf32, #tpu.memory_space<vmem>>
      tpu.enqueue_dma source(%dma_start3A_267 : memref<128x128xf32, #tpu.memory_space<vmem>>) target(%dma_start3A_263 : memref<128x128xf32, #tpu.memory_space<hbm>>) target_semaphore(%dma_start3A_261 : memref<!tpu.dma_semaphore, #tpu.memory_space<semaphore_mem>>)
      %dma_wait3A_268 = arith.constant 2 : i32
      %dma_wait3A_269 = arith.constant 2 : i32
      %dma_wait3A_270 = arith.constant 2 : i32
      %dma_wait3A_271 = arith.constant 0 : i32
      %dma_wait3A_272 = arith.constant 0 : i32
      %dma_wait3A_273 = tpu.memref_slice %arg7[%dma_wait3A_269, %dma_wait3A_271, %dma_wait3A_272] : memref<4x128x128xf32, #tpu.memory_space<vmem>> -> memref<1x128x128xf32, #tpu.memory_space<vmem>>
      %dma_wait3A_274 = tpu.memref_squeeze %dma_wait3A_273 : memref<1x128x128xf32, #tpu.memory_space<vmem>> -> memref<128x128xf32, #tpu.memory_space<vmem>>
      %dma_wait3A_275 = arith.constant 0 : i32
      %dma_wait3A_276 = tpu.memref_slice %arg5[%dma_wait3A_268, %dma_wait3A_275] : memref<4x128xi32, #tpu.memory_space<vmem>> -> memref<1x128xi32, #tpu.memory_space<vmem>>
      %dma_wait3A_277 = tpu.memref_squeeze %dma_wait3A_276 : memref<1x128xi32, #tpu.memory_space<vmem>> -> memref<128xi32, #tpu.memory_space<vmem>>
      %dma_wait3A_278 = arith.constant 0 : i32
      %dma_wait3A_279 = arith.constant 0 : i32
      %dma_wait3A_280 = tpu.memref_slice %arg3[%dma_wait3A_278, %dma_wait3A_279] : memref<100000x128xf32, #tpu.memory_space<hbm>> -> memref<100000x128xf32, #tpu.memory_space<hbm>>
      %dma_wait3A_281 = tpu.memref_slice %arg9[%dma_wait3A_270] : memref<4x!tpu.dma_semaphore, #tpu.memory_space<semaphore_mem>> -> memref<1x!tpu.dma_semaphore, #tpu.memory_space<semaphore_mem>>
      %dma_wait3A_282 = tpu.memref_squeeze %dma_wait3A_281 : memref<1x!tpu.dma_semaphore, #tpu.memory_space<semaphore_mem>> -> memref<!tpu.dma_semaphore, #tpu.memory_space<semaphore_mem>>
      tpu.wait_indirect_dma semaphore(%dma_wait3A_282 : memref<!tpu.dma_semaphore, #tpu.memory_space<semaphore_mem>>) src(%dma_wait3A_280 : memref<100000x128xf32, #tpu.memory_space<hbm>>) dst(%dma_wait3A_274 : memref<128x128xf32, #tpu.memory_space<vmem>>)
      %add3A_283 = arith.constant 2 : i32
      %add3A_284 = arith.addi %add3A_113, %add3A_283 : i32
      %mul3A_285 = arith.constant 128 : i32
      %mul3A_286 = arith.muli %add3A_284, %mul3A_285 : i32
      %dma_start3A_287 = arith.constant 2 : i32
      %dma_start3A_288 = arith.constant 2 : i32
      %dma_start3A_289 = arith.constant 0 : i32
      %dma_start3A_290 = arith.constant 0 : i32
      %dma_start3A_291 = tpu.memref_slice %arg7[%dma_start3A_287, %dma_start3A_289, %dma_start3A_290] : memref<4x128x128xf32, #tpu.memory_space<vmem>> -> memref<1x128x128xf32, #tpu.memory_space<vmem>>
      %dma_start3A_292 = tpu.memref_squeeze %dma_start3A_291 : memref<1x128x128xf32, #tpu.memory_space<vmem>> -> memref<128x128xf32, #tpu.memory_space<vmem>>
      %dma_start3A_293 = arith.constant 0 : i32
      %dma_start3A_294 = tpu.memref_slice %arg4[%mul3A_286, %dma_start3A_293] : memref<819200x128xf32, #tpu.memory_space<hbm>> -> memref<128x128xf32, #tpu.memory_space<hbm>>
      %dma_start3A_295 = tpu.memref_slice %arg10[%dma_start3A_288] : memref<4x!tpu.dma_semaphore, #tpu.memory_space<semaphore_mem>> -> memref<1x!tpu.dma_semaphore, #tpu.memory_space<semaphore_mem>>
      %dma_start3A_296 = tpu.memref_squeeze %dma_start3A_295 : memref<1x!tpu.dma_semaphore, #tpu.memory_space<semaphore_mem>> -> memref<!tpu.dma_semaphore, #tpu.memory_space<semaphore_mem>>
      %dma_start3A_297 = arith.constant 0 : i32
      %dma_start3A_298 = tpu.memref_slice %arg4[%mul3A_286, %dma_start3A_297] : memref<819200x128xf32, #tpu.memory_space<hbm>> -> memref<128x128xf32, #tpu.memory_space<hbm>>
      %dma_start3A_299 = arith.constant 0 : i32
      %dma_start3A_300 = arith.constant 0 : i32
      %dma_start3A_301 = tpu.memref_slice %arg7[%dma_start3A_287, %dma_start3A_299, %dma_start3A_300] : memref<4x128x128xf32, #tpu.memory_space<vmem>> -> memref<1x128x128xf32, #tpu.memory_space<vmem>>
      %dma_start3A_302 = tpu.memref_squeeze %dma_start3A_301 : memref<1x128x128xf32, #tpu.memory_space<vmem>> -> memref<128x128xf32, #tpu.memory_space<vmem>>
      tpu.enqueue_dma source(%dma_start3A_302 : memref<128x128xf32, #tpu.memory_space<vmem>>) target(%dma_start3A_298 : memref<128x128xf32, #tpu.memory_space<hbm>>) target_semaphore(%dma_start3A_296 : memref<!tpu.dma_semaphore, #tpu.memory_space<semaphore_mem>>)
      %dma_wait3A_303 = arith.constant 3 : i32
      %dma_wait3A_304 = arith.constant 3 : i32
      %dma_wait3A_305 = arith.constant 3 : i32
      %dma_wait3A_306 = arith.constant 0 : i32
      %dma_wait3A_307 = arith.constant 0 : i32
      %dma_wait3A_308 = tpu.memref_slice %arg7[%dma_wait3A_304, %dma_wait3A_306, %dma_wait3A_307] : memref<4x128x128xf32, #tpu.memory_space<vmem>> -> memref<1x128x128xf32, #tpu.memory_space<vmem>>
      %dma_wait3A_309 = tpu.memref_squeeze %dma_wait3A_308 : memref<1x128x128xf32, #tpu.memory_space<vmem>> -> memref<128x128xf32, #tpu.memory_space<vmem>>
      %dma_wait3A_310 = arith.constant 0 : i32
      %dma_wait3A_311 = tpu.memref_slice %arg5[%dma_wait3A_303, %dma_wait3A_310] : memref<4x128xi32, #tpu.memory_space<vmem>> -> memref<1x128xi32, #tpu.memory_space<vmem>>
      %dma_wait3A_312 = tpu.memref_squeeze %dma_wait3A_311 : memref<1x128xi32, #tpu.memory_space<vmem>> -> memref<128xi32, #tpu.memory_space<vmem>>
      %dma_wait3A_313 = arith.constant 0 : i32
      %dma_wait3A_314 = arith.constant 0 : i32
      %dma_wait3A_315 = tpu.memref_slice %arg3[%dma_wait3A_313, %dma_wait3A_314] : memref<100000x128xf32, #tpu.memory_space<hbm>> -> memref<100000x128xf32, #tpu.memory_space<hbm>>
      %dma_wait3A_316 = tpu.memref_slice %arg9[%dma_wait3A_305] : memref<4x!tpu.dma_semaphore, #tpu.memory_space<semaphore_mem>> -> memref<1x!tpu.dma_semaphore, #tpu.memory_space<semaphore_mem>>
      %dma_wait3A_317 = tpu.memref_squeeze %dma_wait3A_316 : memref<1x!tpu.dma_semaphore, #tpu.memory_space<semaphore_mem>> -> memref<!tpu.dma_semaphore, #tpu.memory_space<semaphore_mem>>
      tpu.wait_indirect_dma semaphore(%dma_wait3A_317 : memref<!tpu.dma_semaphore, #tpu.memory_space<semaphore_mem>>) src(%dma_wait3A_315 : memref<100000x128xf32, #tpu.memory_space<hbm>>) dst(%dma_wait3A_309 : memref<128x128xf32, #tpu.memory_space<vmem>>)
      %add3A_318 = arith.constant 3 : i32
      %add3A_319 = arith.addi %add3A_113, %add3A_318 : i32
      %mul3A_320 = arith.constant 128 : i32
      %mul3A_321 = arith.muli %add3A_319, %mul3A_320 : i32
      %dma_start3A_322 = arith.constant 3 : i32
      %dma_start3A_323 = arith.constant 3 : i32
      %dma_start3A_324 = arith.constant 0 : i32
      %dma_start3A_325 = arith.constant 0 : i32
      %dma_start3A_326 = tpu.memref_slice %arg7[%dma_start3A_322, %dma_start3A_324, %dma_start3A_325] : memref<4x128x128xf32, #tpu.memory_space<vmem>> -> memref<1x128x128xf32, #tpu.memory_space<vmem>>
      %dma_start3A_327 = tpu.memref_squeeze %dma_start3A_326 : memref<1x128x128xf32, #tpu.memory_space<vmem>> -> memref<128x128xf32, #tpu.memory_space<vmem>>
      %dma_start3A_328 = arith.constant 0 : i32
      %dma_start3A_329 = tpu.memref_slice %arg4[%mul3A_321, %dma_start3A_328] : memref<819200x128xf32, #tpu.memory_space<hbm>> -> memref<128x128xf32, #tpu.memory_space<hbm>>
      %dma_start3A_330 = tpu.memref_slice %arg10[%dma_start3A_323] : memref<4x!tpu.dma_semaphore, #tpu.memory_space<semaphore_mem>> -> memref<1x!tpu.dma_semaphore, #tpu.memory_space<semaphore_mem>>
      %dma_start3A_331 = tpu.memref_squeeze %dma_start3A_330 : memref<1x!tpu.dma_semaphore, #tpu.memory_space<semaphore_mem>> -> memref<!tpu.dma_semaphore, #tpu.memory_space<semaphore_mem>>
      %dma_start3A_332 = arith.constant 0 : i32
      %dma_start3A_333 = tpu.memref_slice %arg4[%mul3A_321, %dma_start3A_332] : memref<819200x128xf32, #tpu.memory_space<hbm>> -> memref<128x128xf32, #tpu.memory_space<hbm>>
      %dma_start3A_334 = arith.constant 0 : i32
      %dma_start3A_335 = arith.constant 0 : i32
      %dma_start3A_336 = tpu.memref_slice %arg7[%dma_start3A_322, %dma_start3A_334, %dma_start3A_335] : memref<4x128x128xf32, #tpu.memory_space<vmem>> -> memref<1x128x128xf32, #tpu.memory_space<vmem>>
      %dma_start3A_337 = tpu.memref_squeeze %dma_start3A_336 : memref<1x128x128xf32, #tpu.memory_space<vmem>> -> memref<128x128xf32, #tpu.memory_space<vmem>>
      tpu.enqueue_dma source(%dma_start3A_337 : memref<128x128xf32, #tpu.memory_space<vmem>>) target(%dma_start3A_333 : memref<128x128xf32, #tpu.memory_space<hbm>>) target_semaphore(%dma_start3A_331 : memref<!tpu.dma_semaphore, #tpu.memory_space<semaphore_mem>>)
      %lt3A = arith.constant 24 : i32
      %lt3A_338 = arith.cmpi slt, %scan3A_105, %lt3A : i32
      %convert_element_type3A_339 = arith.extui %lt3A_338 : i1 to i32
      %cond3A_340 = arith.constant 0 : i32
      %cond3A_341 = arith.cmpi ne, %convert_element_type3A_339, %cond3A_340 : i32
      scf.if %cond3A_341 {
        %add3A_649 = arith.constant 8 : i32
        %add3A_650 = arith.addi %add3A_113, %add3A_649 : i32
        %dma_start3A_651 = arith.constant 0 : i32
        %dma_start3A_652 = arith.constant 0 : i32
        %dma_start3A_653 = tpu.memref_slice %arg2[%add3A_650, %dma_start3A_652] : memref<6400x128xi32, #tpu.memory_space<hbm>> -> memref<4x128xi32, #tpu.memory_space<hbm>>
        %dma_start3A_654 = tpu.memref_slice %arg8[%dma_start3A_651] : memref<2x!tpu.dma_semaphore, #tpu.memory_space<semaphore_mem>> -> memref<1x!tpu.dma_semaphore, #tpu.memory_space<semaphore_mem>>
        %dma_start3A_655 = tpu.memref_squeeze %dma_start3A_654 : memref<1x!tpu.dma_semaphore, #tpu.memory_space<semaphore_mem>> -> memref<!tpu.dma_semaphore, #tpu.memory_space<semaphore_mem>>
        %dma_start3A_656 = arith.constant 0 : i32
        %dma_start3A_657 = tpu.memref_slice %arg2[%add3A_650, %dma_start3A_656] : memref<6400x128xi32, #tpu.memory_space<hbm>> -> memref<4x128xi32, #tpu.memory_space<hbm>>
        tpu.enqueue_dma source(%dma_start3A_657 : memref<4x128xi32, #tpu.memory_space<hbm>>) target(%arg5 : memref<4x128xi32, #tpu.memory_space<vmem>>) target_semaphore(%dma_start3A_655 : memref<!tpu.dma_semaphore, #tpu.memory_space<semaphore_mem>>)
      } else {
      }
      %mul3A_342 = arith.constant 2 : i32
      %mul3A_343 = arith.muli %mul3A_342, %scan3A_105 : i32
      %add3A_344 = arith.constant 1 : i32
      %add3A_345 = arith.addi %mul3A_343, %add3A_344 : i32
      %mul3A_346 = arith.constant 4 : i32
      %mul3A_347 = arith.muli %add3A_345, %mul3A_346 : i32
      %add3A_348 = arith.addi %mul3A_2, %mul3A_347 : i32
      %dma_wait3A_349 = arith.constant 1 : i32
      %dma_wait3A_350 = arith.constant 0 : i32
      %dma_wait3A_351 = tpu.memref_slice %arg2[%add3A_348, %dma_wait3A_350] : memref<6400x128xi32, #tpu.memory_space<hbm>> -> memref<4x128xi32, #tpu.memory_space<hbm>>
      %dma_wait3A_352 = tpu.memref_slice %arg8[%dma_wait3A_349] : memref<2x!tpu.dma_semaphore, #tpu.memory_space<semaphore_mem>> -> memref<1x!tpu.dma_semaphore, #tpu.memory_space<semaphore_mem>>
      %dma_wait3A_353 = tpu.memref_squeeze %dma_wait3A_352 : memref<1x!tpu.dma_semaphore, #tpu.memory_space<semaphore_mem>> -> memref<!tpu.dma_semaphore, #tpu.memory_space<semaphore_mem>>
      %dma_wait3A_354 = arith.constant 0 : i32
      %dma_wait3A_355 = tpu.memref_slice %arg2[%add3A_348, %dma_wait3A_354] : memref<6400x128xi32, #tpu.memory_space<hbm>> -> memref<4x128xi32, #tpu.memory_space<hbm>>
      tpu.wait_dma2 semaphore(%dma_wait3A_353 : memref<!tpu.dma_semaphore, #tpu.memory_space<semaphore_mem>>) src(%dma_wait3A_355 : memref<4x128xi32, #tpu.memory_space<hbm>>) dst(%arg6 : memref<4x128xi32, #tpu.memory_space<vmem>>)
      %sub3A = arith.constant 4 : i32
      %sub3A_356 = arith.subi %add3A_348, %sub3A : i32
      %add3A_357 = arith.constant 0 : i32
      %add3A_358 = arith.addi %sub3A_356, %add3A_357 : i32
      %mul3A_359 = arith.constant 128 : i32
      %mul3A_360 = arith.muli %add3A_358, %mul3A_359 : i32
      %dma_wait3A_361 = arith.constant 0 : i32
      %dma_wait3A_362 = arith.constant 0 : i32
      %dma_wait3A_363 = arith.constant 0 : i32
      %dma_wait3A_364 = arith.constant 0 : i32
      %dma_wait3A_365 = tpu.memref_slice %arg7[%dma_wait3A_361, %dma_wait3A_363, %dma_wait3A_364] : memref<4x128x128xf32, #tpu.memory_space<vmem>> -> memref<1x128x128xf32, #tpu.memory_space<vmem>>
      %dma_wait3A_366 = tpu.memref_squeeze %dma_wait3A_365 : memref<1x128x128xf32, #tpu.memory_space<vmem>> -> memref<128x128xf32, #tpu.memory_space<vmem>>
      %dma_wait3A_367 = arith.constant 0 : i32
      %dma_wait3A_368 = tpu.memref_slice %arg4[%mul3A_360, %dma_wait3A_367] : memref<819200x128xf32, #tpu.memory_space<hbm>> -> memref<128x128xf32, #tpu.memory_space<hbm>>
      %dma_wait3A_369 = tpu.memref_slice %arg10[%dma_wait3A_362] : memref<4x!tpu.dma_semaphore, #tpu.memory_space<semaphore_mem>> -> memref<1x!tpu.dma_semaphore, #tpu.memory_space<semaphore_mem>>
      %dma_wait3A_370 = tpu.memref_squeeze %dma_wait3A_369 : memref<1x!tpu.dma_semaphore, #tpu.memory_space<semaphore_mem>> -> memref<!tpu.dma_semaphore, #tpu.memory_space<semaphore_mem>>
      %dma_wait3A_371 = arith.constant 0 : i32
      %dma_wait3A_372 = tpu.memref_slice %arg4[%mul3A_360, %dma_wait3A_371] : memref<819200x128xf32, #tpu.memory_space<hbm>> -> memref<128x128xf32, #tpu.memory_space<hbm>>
      %dma_wait3A_373 = arith.constant 0 : i32
      %dma_wait3A_374 = arith.constant 0 : i32
      %dma_wait3A_375 = tpu.memref_slice %arg7[%dma_wait3A_361, %dma_wait3A_373, %dma_wait3A_374] : memref<4x128x128xf32, #tpu.memory_space<vmem>> -> memref<1x128x128xf32, #tpu.memory_space<vmem>>
      %dma_wait3A_376 = tpu.memref_squeeze %dma_wait3A_375 : memref<1x128x128xf32, #tpu.memory_space<vmem>> -> memref<128x128xf32, #tpu.memory_space<vmem>>
      tpu.wait_dma2 semaphore(%dma_wait3A_370 : memref<!tpu.dma_semaphore, #tpu.memory_space<semaphore_mem>>) src(%dma_wait3A_376 : memref<128x128xf32, #tpu.memory_space<vmem>>) dst(%dma_wait3A_372 : memref<128x128xf32, #tpu.memory_space<hbm>>)
      %dma_start3A_377 = arith.constant 0 : i32
      %dma_start3A_378 = arith.constant 0 : i32
      %dma_start3A_379 = arith.constant 0 : i32
      %dma_start3A_380 = arith.constant 0 : i32
      %dma_start3A_381 = arith.constant 0 : i32
      %dma_start3A_382 = tpu.memref_slice %arg7[%dma_start3A_378, %dma_start3A_380, %dma_start3A_381] : memref<4x128x128xf32, #tpu.memory_space<vmem>> -> memref<1x128x128xf32, #tpu.memory_space<vmem>>
      %dma_start3A_383 = tpu.memref_squeeze %dma_start3A_382 : memref<1x128x128xf32, #tpu.memory_space<vmem>> -> memref<128x128xf32, #tpu.memory_space<vmem>>
      %dma_start3A_384 = arith.constant 0 : i32
      %dma_start3A_385 = tpu.memref_slice %arg6[%dma_start3A_377, %dma_start3A_384] : memref<4x128xi32, #tpu.memory_space<vmem>> -> memref<1x128xi32, #tpu.memory_space<vmem>>
      %dma_start3A_386 = tpu.memref_squeeze %dma_start3A_385 : memref<1x128xi32, #tpu.memory_space<vmem>> -> memref<128xi32, #tpu.memory_space<vmem>>
      %dma_start3A_387 = arith.constant 0 : i32
      %dma_start3A_388 = arith.constant 0 : i32
      %dma_start3A_389 = tpu.memref_slice %arg3[%dma_start3A_387, %dma_start3A_388] : memref<100000x128xf32, #tpu.memory_space<hbm>> -> memref<100000x128xf32, #tpu.memory_space<hbm>>
      %dma_start3A_390 = tpu.memref_slice %arg9[%dma_start3A_379] : memref<4x!tpu.dma_semaphore, #tpu.memory_space<semaphore_mem>> -> memref<1x!tpu.dma_semaphore, #tpu.memory_space<semaphore_mem>>
      %dma_start3A_391 = tpu.memref_squeeze %dma_start3A_390 : memref<1x!tpu.dma_semaphore, #tpu.memory_space<semaphore_mem>> -> memref<!tpu.dma_semaphore, #tpu.memory_space<semaphore_mem>>
      tpu.enqueue_indirect_dma source(%dma_start3A_389 : memref<100000x128xf32, #tpu.memory_space<hbm>>) target(%dma_start3A_383 : memref<128x128xf32, #tpu.memory_space<vmem>>) offsets(%dma_start3A_386 : memref<128xi32, #tpu.memory_space<vmem>>) semaphore(%dma_start3A_391 : memref<!tpu.dma_semaphore, #tpu.memory_space<semaphore_mem>>)
      %sub3A_392 = arith.constant 4 : i32
      %sub3A_393 = arith.subi %add3A_348, %sub3A_392 : i32
      %add3A_394 = arith.constant 1 : i32
      %add3A_395 = arith.addi %sub3A_393, %add3A_394 : i32
      %mul3A_396 = arith.constant 128 : i32
      %mul3A_397 = arith.muli %add3A_395, %mul3A_396 : i32
      %dma_wait3A_398 = arith.constant 1 : i32
      %dma_wait3A_399 = arith.constant 1 : i32
      %dma_wait3A_400 = arith.constant 0 : i32
      %dma_wait3A_401 = arith.constant 0 : i32
      %dma_wait3A_402 = tpu.memref_slice %arg7[%dma_wait3A_398, %dma_wait3A_400, %dma_wait3A_401] : memref<4x128x128xf32, #tpu.memory_space<vmem>> -> memref<1x128x128xf32, #tpu.memory_space<vmem>>
      %dma_wait3A_403 = tpu.memref_squeeze %dma_wait3A_402 : memref<1x128x128xf32, #tpu.memory_space<vmem>> -> memref<128x128xf32, #tpu.memory_space<vmem>>
      %dma_wait3A_404 = arith.constant 0 : i32
      %dma_wait3A_405 = tpu.memref_slice %arg4[%mul3A_397, %dma_wait3A_404] : memref<819200x128xf32, #tpu.memory_space<hbm>> -> memref<128x128xf32, #tpu.memory_space<hbm>>
      %dma_wait3A_406 = tpu.memref_slice %arg10[%dma_wait3A_399] : memref<4x!tpu.dma_semaphore, #tpu.memory_space<semaphore_mem>> -> memref<1x!tpu.dma_semaphore, #tpu.memory_space<semaphore_mem>>
      %dma_wait3A_407 = tpu.memref_squeeze %dma_wait3A_406 : memref<1x!tpu.dma_semaphore, #tpu.memory_space<semaphore_mem>> -> memref<!tpu.dma_semaphore, #tpu.memory_space<semaphore_mem>>
      %dma_wait3A_408 = arith.constant 0 : i32
      %dma_wait3A_409 = tpu.memref_slice %arg4[%mul3A_397, %dma_wait3A_408] : memref<819200x128xf32, #tpu.memory_space<hbm>> -> memref<128x128xf32, #tpu.memory_space<hbm>>
      %dma_wait3A_410 = arith.constant 0 : i32
      %dma_wait3A_411 = arith.constant 0 : i32
      %dma_wait3A_412 = tpu.memref_slice %arg7[%dma_wait3A_398, %dma_wait3A_410, %dma_wait3A_411] : memref<4x128x128xf32, #tpu.memory_space<vmem>> -> memref<1x128x128xf32, #tpu.memory_space<vmem>>
      %dma_wait3A_413 = tpu.memref_squeeze %dma_wait3A_412 : memref<1x128x128xf32, #tpu.memory_space<vmem>> -> memref<128x128xf32, #tpu.memory_space<vmem>>
      tpu.wait_dma2 semaphore(%dma_wait3A_407 : memref<!tpu.dma_semaphore, #tpu.memory_space<semaphore_mem>>) src(%dma_wait3A_413 : memref<128x128xf32, #tpu.memory_space<vmem>>) dst(%dma_wait3A_409 : memref<128x128xf32, #tpu.memory_space<hbm>>)
      %dma_start3A_414 = arith.constant 1 : i32
      %dma_start3A_415 = arith.constant 1 : i32
      %dma_start3A_416 = arith.constant 1 : i32
      %dma_start3A_417 = arith.constant 0 : i32
      %dma_start3A_418 = arith.constant 0 : i32
      %dma_start3A_419 = tpu.memref_slice %arg7[%dma_start3A_415, %dma_start3A_417, %dma_start3A_418] : memref<4x128x128xf32, #tpu.memory_space<vmem>> -> memref<1x128x128xf32, #tpu.memory_space<vmem>>
      %dma_start3A_420 = tpu.memref_squeeze %dma_start3A_419 : memref<1x128x128xf32, #tpu.memory_space<vmem>> -> memref<128x128xf32, #tpu.memory_space<vmem>>
      %dma_start3A_421 = arith.constant 0 : i32
      %dma_start3A_422 = tpu.memref_slice %arg6[%dma_start3A_414, %dma_start3A_421] : memref<4x128xi32, #tpu.memory_space<vmem>> -> memref<1x128xi32, #tpu.memory_space<vmem>>
      %dma_start3A_423 = tpu.memref_squeeze %dma_start3A_422 : memref<1x128xi32, #tpu.memory_space<vmem>> -> memref<128xi32, #tpu.memory_space<vmem>>
      %dma_start3A_424 = arith.constant 0 : i32
      %dma_start3A_425 = arith.constant 0 : i32
      %dma_start3A_426 = tpu.memref_slice %arg3[%dma_start3A_424, %dma_start3A_425] : memref<100000x128xf32, #tpu.memory_space<hbm>> -> memref<100000x128xf32, #tpu.memory_space<hbm>>
      %dma_start3A_427 = tpu.memref_slice %arg9[%dma_start3A_416] : memref<4x!tpu.dma_semaphore, #tpu.memory_space<semaphore_mem>> -> memref<1x!tpu.dma_semaphore, #tpu.memory_space<semaphore_mem>>
      %dma_start3A_428 = tpu.memref_squeeze %dma_start3A_427 : memref<1x!tpu.dma_semaphore, #tpu.memory_space<semaphore_mem>> -> memref<!tpu.dma_semaphore, #tpu.memory_space<semaphore_mem>>
      tpu.enqueue_indirect_dma source(%dma_start3A_426 : memref<100000x128xf32, #tpu.memory_space<hbm>>) target(%dma_start3A_420 : memref<128x128xf32, #tpu.memory_space<vmem>>) offsets(%dma_start3A_423 : memref<128xi32, #tpu.memory_space<vmem>>) semaphore(%dma_start3A_428 : memref<!tpu.dma_semaphore, #tpu.memory_space<semaphore_mem>>)
      %sub3A_429 = arith.constant 4 : i32
      %sub3A_430 = arith.subi %add3A_348, %sub3A_429 : i32
      %add3A_431 = arith.constant 2 : i32
      %add3A_432 = arith.addi %sub3A_430, %add3A_431 : i32
      %mul3A_433 = arith.constant 128 : i32
      %mul3A_434 = arith.muli %add3A_432, %mul3A_433 : i32
      %dma_wait3A_435 = arith.constant 2 : i32
      %dma_wait3A_436 = arith.constant 2 : i32
      %dma_wait3A_437 = arith.constant 0 : i32
      %dma_wait3A_438 = arith.constant 0 : i32
      %dma_wait3A_439 = tpu.memref_slice %arg7[%dma_wait3A_435, %dma_wait3A_437, %dma_wait3A_438] : memref<4x128x128xf32, #tpu.memory_space<vmem>> -> memref<1x128x128xf32, #tpu.memory_space<vmem>>
      %dma_wait3A_440 = tpu.memref_squeeze %dma_wait3A_439 : memref<1x128x128xf32, #tpu.memory_space<vmem>> -> memref<128x128xf32, #tpu.memory_space<vmem>>
      %dma_wait3A_441 = arith.constant 0 : i32
      %dma_wait3A_442 = tpu.memref_slice %arg4[%mul3A_434, %dma_wait3A_441] : memref<819200x128xf32, #tpu.memory_space<hbm>> -> memref<128x128xf32, #tpu.memory_space<hbm>>
      %dma_wait3A_443 = tpu.memref_slice %arg10[%dma_wait3A_436] : memref<4x!tpu.dma_semaphore, #tpu.memory_space<semaphore_mem>> -> memref<1x!tpu.dma_semaphore, #tpu.memory_space<semaphore_mem>>
      %dma_wait3A_444 = tpu.memref_squeeze %dma_wait3A_443 : memref<1x!tpu.dma_semaphore, #tpu.memory_space<semaphore_mem>> -> memref<!tpu.dma_semaphore, #tpu.memory_space<semaphore_mem>>
      %dma_wait3A_445 = arith.constant 0 : i32
      %dma_wait3A_446 = tpu.memref_slice %arg4[%mul3A_434, %dma_wait3A_445] : memref<819200x128xf32, #tpu.memory_space<hbm>> -> memref<128x128xf32, #tpu.memory_space<hbm>>
      %dma_wait3A_447 = arith.constant 0 : i32
      %dma_wait3A_448 = arith.constant 0 : i32
      %dma_wait3A_449 = tpu.memref_slice %arg7[%dma_wait3A_435, %dma_wait3A_447, %dma_wait3A_448] : memref<4x128x128xf32, #tpu.memory_space<vmem>> -> memref<1x128x128xf32, #tpu.memory_space<vmem>>
      %dma_wait3A_450 = tpu.memref_squeeze %dma_wait3A_449 : memref<1x128x128xf32, #tpu.memory_space<vmem>> -> memref<128x128xf32, #tpu.memory_space<vmem>>
      tpu.wait_dma2 semaphore(%dma_wait3A_444 : memref<!tpu.dma_semaphore, #tpu.memory_space<semaphore_mem>>) src(%dma_wait3A_450 : memref<128x128xf32, #tpu.memory_space<vmem>>) dst(%dma_wait3A_446 : memref<128x128xf32, #tpu.memory_space<hbm>>)
      %dma_start3A_451 = arith.constant 2 : i32
      %dma_start3A_452 = arith.constant 2 : i32
      %dma_start3A_453 = arith.constant 2 : i32
      %dma_start3A_454 = arith.constant 0 : i32
      %dma_start3A_455 = arith.constant 0 : i32
      %dma_start3A_456 = tpu.memref_slice %arg7[%dma_start3A_452, %dma_start3A_454, %dma_start3A_455] : memref<4x128x128xf32, #tpu.memory_space<vmem>> -> memref<1x128x128xf32, #tpu.memory_space<vmem>>
      %dma_start3A_457 = tpu.memref_squeeze %dma_start3A_456 : memref<1x128x128xf32, #tpu.memory_space<vmem>> -> memref<128x128xf32, #tpu.memory_space<vmem>>
      %dma_start3A_458 = arith.constant 0 : i32
      %dma_start3A_459 = tpu.memref_slice %arg6[%dma_start3A_451, %dma_start3A_458] : memref<4x128xi32, #tpu.memory_space<vmem>> -> memref<1x128xi32, #tpu.memory_space<vmem>>
      %dma_start3A_460 = tpu.memref_squeeze %dma_start3A_459 : memref<1x128xi32, #tpu.memory_space<vmem>> -> memref<128xi32, #tpu.memory_space<vmem>>
      %dma_start3A_461 = arith.constant 0 : i32
      %dma_start3A_462 = arith.constant 0 : i32
      %dma_start3A_463 = tpu.memref_slice %arg3[%dma_start3A_461, %dma_start3A_462] : memref<100000x128xf32, #tpu.memory_space<hbm>> -> memref<100000x128xf32, #tpu.memory_space<hbm>>
      %dma_start3A_464 = tpu.memref_slice %arg9[%dma_start3A_453] : memref<4x!tpu.dma_semaphore, #tpu.memory_space<semaphore_mem>> -> memref<1x!tpu.dma_semaphore, #tpu.memory_space<semaphore_mem>>
      %dma_start3A_465 = tpu.memref_squeeze %dma_start3A_464 : memref<1x!tpu.dma_semaphore, #tpu.memory_space<semaphore_mem>> -> memref<!tpu.dma_semaphore, #tpu.memory_space<semaphore_mem>>
      tpu.enqueue_indirect_dma source(%dma_start3A_463 : memref<100000x128xf32, #tpu.memory_space<hbm>>) target(%dma_start3A_457 : memref<128x128xf32, #tpu.memory_space<vmem>>) offsets(%dma_start3A_460 : memref<128xi32, #tpu.memory_space<vmem>>) semaphore(%dma_start3A_465 : memref<!tpu.dma_semaphore, #tpu.memory_space<semaphore_mem>>)
      %sub3A_466 = arith.constant 4 : i32
      %sub3A_467 = arith.subi %add3A_348, %sub3A_466 : i32
      %add3A_468 = arith.constant 3 : i32
      %add3A_469 = arith.addi %sub3A_467, %add3A_468 : i32
      %mul3A_470 = arith.constant 128 : i32
      %mul3A_471 = arith.muli %add3A_469, %mul3A_470 : i32
      %dma_wait3A_472 = arith.constant 3 : i32
      %dma_wait3A_473 = arith.constant 3 : i32
      %dma_wait3A_474 = arith.constant 0 : i32
      %dma_wait3A_475 = arith.constant 0 : i32
      %dma_wait3A_476 = tpu.memref_slice %arg7[%dma_wait3A_472, %dma_wait3A_474, %dma_wait3A_475] : memref<4x128x128xf32, #tpu.memory_space<vmem>> -> memref<1x128x128xf32, #tpu.memory_space<vmem>>
      %dma_wait3A_477 = tpu.memref_squeeze %dma_wait3A_476 : memref<1x128x128xf32, #tpu.memory_space<vmem>> -> memref<128x128xf32, #tpu.memory_space<vmem>>
      %dma_wait3A_478 = arith.constant 0 : i32
      %dma_wait3A_479 = tpu.memref_slice %arg4[%mul3A_471, %dma_wait3A_478] : memref<819200x128xf32, #tpu.memory_space<hbm>> -> memref<128x128xf32, #tpu.memory_space<hbm>>
      %dma_wait3A_480 = tpu.memref_slice %arg10[%dma_wait3A_473] : memref<4x!tpu.dma_semaphore, #tpu.memory_space<semaphore_mem>> -> memref<1x!tpu.dma_semaphore, #tpu.memory_space<semaphore_mem>>
      %dma_wait3A_481 = tpu.memref_squeeze %dma_wait3A_480 : memref<1x!tpu.dma_semaphore, #tpu.memory_space<semaphore_mem>> -> memref<!tpu.dma_semaphore, #tpu.memory_space<semaphore_mem>>
      %dma_wait3A_482 = arith.constant 0 : i32
      %dma_wait3A_483 = tpu.memref_slice %arg4[%mul3A_471, %dma_wait3A_482] : memref<819200x128xf32, #tpu.memory_space<hbm>> -> memref<128x128xf32, #tpu.memory_space<hbm>>
      %dma_wait3A_484 = arith.constant 0 : i32
      %dma_wait3A_485 = arith.constant 0 : i32
      %dma_wait3A_486 = tpu.memref_slice %arg7[%dma_wait3A_472, %dma_wait3A_484, %dma_wait3A_485] : memref<4x128x128xf32, #tpu.memory_space<vmem>> -> memref<1x128x128xf32, #tpu.memory_space<vmem>>
      %dma_wait3A_487 = tpu.memref_squeeze %dma_wait3A_486 : memref<1x128x128xf32, #tpu.memory_space<vmem>> -> memref<128x128xf32, #tpu.memory_space<vmem>>
      tpu.wait_dma2 semaphore(%dma_wait3A_481 : memref<!tpu.dma_semaphore, #tpu.memory_space<semaphore_mem>>) src(%dma_wait3A_487 : memref<128x128xf32, #tpu.memory_space<vmem>>) dst(%dma_wait3A_483 : memref<128x128xf32, #tpu.memory_space<hbm>>)
      %dma_start3A_488 = arith.constant 3 : i32
      %dma_start3A_489 = arith.constant 3 : i32
      %dma_start3A_490 = arith.constant 3 : i32
      %dma_start3A_491 = arith.constant 0 : i32
      %dma_start3A_492 = arith.constant 0 : i32
      %dma_start3A_493 = tpu.memref_slice %arg7[%dma_start3A_489, %dma_start3A_491, %dma_start3A_492] : memref<4x128x128xf32, #tpu.memory_space<vmem>> -> memref<1x128x128xf32, #tpu.memory_space<vmem>>
      %dma_start3A_494 = tpu.memref_squeeze %dma_start3A_493 : memref<1x128x128xf32, #tpu.memory_space<vmem>> -> memref<128x128xf32, #tpu.memory_space<vmem>>
      %dma_start3A_495 = arith.constant 0 : i32
      %dma_start3A_496 = tpu.memref_slice %arg6[%dma_start3A_488, %dma_start3A_495] : memref<4x128xi32, #tpu.memory_space<vmem>> -> memref<1x128xi32, #tpu.memory_space<vmem>>
      %dma_start3A_497 = tpu.memref_squeeze %dma_start3A_496 : memref<1x128xi32, #tpu.memory_space<vmem>> -> memref<128xi32, #tpu.memory_space<vmem>>
      %dma_start3A_498 = arith.constant 0 : i32
      %dma_start3A_499 = arith.constant 0 : i32
      %dma_start3A_500 = tpu.memref_slice %arg3[%dma_start3A_498, %dma_start3A_499] : memref<100000x128xf32, #tpu.memory_space<hbm>> -> memref<100000x128xf32, #tpu.memory_space<hbm>>
      %dma_start3A_501 = tpu.memref_slice %arg9[%dma_start3A_490] : memref<4x!tpu.dma_semaphore, #tpu.memory_space<semaphore_mem>> -> memref<1x!tpu.dma_semaphore, #tpu.memory_space<semaphore_mem>>
      %dma_start3A_502 = tpu.memref_squeeze %dma_start3A_501 : memref<1x!tpu.dma_semaphore, #tpu.memory_space<semaphore_mem>> -> memref<!tpu.dma_semaphore, #tpu.memory_space<semaphore_mem>>
      tpu.enqueue_indirect_dma source(%dma_start3A_500 : memref<100000x128xf32, #tpu.memory_space<hbm>>) target(%dma_start3A_494 : memref<128x128xf32, #tpu.memory_space<vmem>>) offsets(%dma_start3A_497 : memref<128xi32, #tpu.memory_space<vmem>>) semaphore(%dma_start3A_502 : memref<!tpu.dma_semaphore, #tpu.memory_space<semaphore_mem>>)
      %dma_wait3A_503 = arith.constant 0 : i32
      %dma_wait3A_504 = arith.constant 0 : i32
      %dma_wait3A_505 = arith.constant 0 : i32
      %dma_wait3A_506 = arith.constant 0 : i32
      %dma_wait3A_507 = arith.constant 0 : i32
      %dma_wait3A_508 = tpu.memref_slice %arg7[%dma_wait3A_504, %dma_wait3A_506, %dma_wait3A_507] : memref<4x128x128xf32, #tpu.memory_space<vmem>> -> memref<1x128x128xf32, #tpu.memory_space<vmem>>
      %dma_wait3A_509 = tpu.memref_squeeze %dma_wait3A_508 : memref<1x128x128xf32, #tpu.memory_space<vmem>> -> memref<128x128xf32, #tpu.memory_space<vmem>>
      %dma_wait3A_510 = arith.constant 0 : i32
      %dma_wait3A_511 = tpu.memref_slice %arg6[%dma_wait3A_503, %dma_wait3A_510] : memref<4x128xi32, #tpu.memory_space<vmem>> -> memref<1x128xi32, #tpu.memory_space<vmem>>
      %dma_wait3A_512 = tpu.memref_squeeze %dma_wait3A_511 : memref<1x128xi32, #tpu.memory_space<vmem>> -> memref<128xi32, #tpu.memory_space<vmem>>
      %dma_wait3A_513 = arith.constant 0 : i32
      %dma_wait3A_514 = arith.constant 0 : i32
      %dma_wait3A_515 = tpu.memref_slice %arg3[%dma_wait3A_513, %dma_wait3A_514] : memref<100000x128xf32, #tpu.memory_space<hbm>> -> memref<100000x128xf32, #tpu.memory_space<hbm>>
      %dma_wait3A_516 = tpu.memref_slice %arg9[%dma_wait3A_505] : memref<4x!tpu.dma_semaphore, #tpu.memory_space<semaphore_mem>> -> memref<1x!tpu.dma_semaphore, #tpu.memory_space<semaphore_mem>>
      %dma_wait3A_517 = tpu.memref_squeeze %dma_wait3A_516 : memref<1x!tpu.dma_semaphore, #tpu.memory_space<semaphore_mem>> -> memref<!tpu.dma_semaphore, #tpu.memory_space<semaphore_mem>>
      tpu.wait_indirect_dma semaphore(%dma_wait3A_517 : memref<!tpu.dma_semaphore, #tpu.memory_space<semaphore_mem>>) src(%dma_wait3A_515 : memref<100000x128xf32, #tpu.memory_space<hbm>>) dst(%dma_wait3A_509 : memref<128x128xf32, #tpu.memory_space<vmem>>)
      %add3A_518 = arith.constant 0 : i32
      %add3A_519 = arith.addi %add3A_348, %add3A_518 : i32
      %mul3A_520 = arith.constant 128 : i32
      %mul3A_521 = arith.muli %add3A_519, %mul3A_520 : i32
      %dma_start3A_522 = arith.constant 0 : i32
      %dma_start3A_523 = arith.constant 0 : i32
      %dma_start3A_524 = arith.constant 0 : i32
      %dma_start3A_525 = arith.constant 0 : i32
      %dma_start3A_526 = tpu.memref_slice %arg7[%dma_start3A_522, %dma_start3A_524, %dma_start3A_525] : memref<4x128x128xf32, #tpu.memory_space<vmem>> -> memref<1x128x128xf32, #tpu.memory_space<vmem>>
      %dma_start3A_527 = tpu.memref_squeeze %dma_start3A_526 : memref<1x128x128xf32, #tpu.memory_space<vmem>> -> memref<128x128xf32, #tpu.memory_space<vmem>>
      %dma_start3A_528 = arith.constant 0 : i32
      %dma_start3A_529 = tpu.memref_slice %arg4[%mul3A_521, %dma_start3A_528] : memref<819200x128xf32, #tpu.memory_space<hbm>> -> memref<128x128xf32, #tpu.memory_space<hbm>>
      %dma_start3A_530 = tpu.memref_slice %arg10[%dma_start3A_523] : memref<4x!tpu.dma_semaphore, #tpu.memory_space<semaphore_mem>> -> memref<1x!tpu.dma_semaphore, #tpu.memory_space<semaphore_mem>>
      %dma_start3A_531 = tpu.memref_squeeze %dma_start3A_530 : memref<1x!tpu.dma_semaphore, #tpu.memory_space<semaphore_mem>> -> memref<!tpu.dma_semaphore, #tpu.memory_space<semaphore_mem>>
      %dma_start3A_532 = arith.constant 0 : i32
      %dma_start3A_533 = tpu.memref_slice %arg4[%mul3A_521, %dma_start3A_532] : memref<819200x128xf32, #tpu.memory_space<hbm>> -> memref<128x128xf32, #tpu.memory_space<hbm>>
      %dma_start3A_534 = arith.constant 0 : i32
      %dma_start3A_535 = arith.constant 0 : i32
      %dma_start3A_536 = tpu.memref_slice %arg7[%dma_start3A_522, %dma_start3A_534, %dma_start3A_535] : memref<4x128x128xf32, #tpu.memory_space<vmem>> -> memref<1x128x128xf32, #tpu.memory_space<vmem>>
      %dma_start3A_537 = tpu.memref_squeeze %dma_start3A_536 : memref<1x128x128xf32, #tpu.memory_space<vmem>> -> memref<128x128xf32, #tpu.memory_space<vmem>>
      tpu.enqueue_dma source(%dma_start3A_537 : memref<128x128xf32, #tpu.memory_space<vmem>>) target(%dma_start3A_533 : memref<128x128xf32, #tpu.memory_space<hbm>>) target_semaphore(%dma_start3A_531 : memref<!tpu.dma_semaphore, #tpu.memory_space<semaphore_mem>>)
      %dma_wait3A_538 = arith.constant 1 : i32
      %dma_wait3A_539 = arith.constant 1 : i32
      %dma_wait3A_540 = arith.constant 1 : i32
      %dma_wait3A_541 = arith.constant 0 : i32
      %dma_wait3A_542 = arith.constant 0 : i32
      %dma_wait3A_543 = tpu.memref_slice %arg7[%dma_wait3A_539, %dma_wait3A_541, %dma_wait3A_542] : memref<4x128x128xf32, #tpu.memory_space<vmem>> -> memref<1x128x128xf32, #tpu.memory_space<vmem>>
      %dma_wait3A_544 = tpu.memref_squeeze %dma_wait3A_543 : memref<1x128x128xf32, #tpu.memory_space<vmem>> -> memref<128x128xf32, #tpu.memory_space<vmem>>
      %dma_wait3A_545 = arith.constant 0 : i32
      %dma_wait3A_546 = tpu.memref_slice %arg6[%dma_wait3A_538, %dma_wait3A_545] : memref<4x128xi32, #tpu.memory_space<vmem>> -> memref<1x128xi32, #tpu.memory_space<vmem>>
      %dma_wait3A_547 = tpu.memref_squeeze %dma_wait3A_546 : memref<1x128xi32, #tpu.memory_space<vmem>> -> memref<128xi32, #tpu.memory_space<vmem>>
      %dma_wait3A_548 = arith.constant 0 : i32
      %dma_wait3A_549 = arith.constant 0 : i32
      %dma_wait3A_550 = tpu.memref_slice %arg3[%dma_wait3A_548, %dma_wait3A_549] : memref<100000x128xf32, #tpu.memory_space<hbm>> -> memref<100000x128xf32, #tpu.memory_space<hbm>>
      %dma_wait3A_551 = tpu.memref_slice %arg9[%dma_wait3A_540] : memref<4x!tpu.dma_semaphore, #tpu.memory_space<semaphore_mem>> -> memref<1x!tpu.dma_semaphore, #tpu.memory_space<semaphore_mem>>
      %dma_wait3A_552 = tpu.memref_squeeze %dma_wait3A_551 : memref<1x!tpu.dma_semaphore, #tpu.memory_space<semaphore_mem>> -> memref<!tpu.dma_semaphore, #tpu.memory_space<semaphore_mem>>
      tpu.wait_indirect_dma semaphore(%dma_wait3A_552 : memref<!tpu.dma_semaphore, #tpu.memory_space<semaphore_mem>>) src(%dma_wait3A_550 : memref<100000x128xf32, #tpu.memory_space<hbm>>) dst(%dma_wait3A_544 : memref<128x128xf32, #tpu.memory_space<vmem>>)
      %add3A_553 = arith.constant 1 : i32
      %add3A_554 = arith.addi %add3A_348, %add3A_553 : i32
      %mul3A_555 = arith.constant 128 : i32
      %mul3A_556 = arith.muli %add3A_554, %mul3A_555 : i32
      %dma_start3A_557 = arith.constant 1 : i32
      %dma_start3A_558 = arith.constant 1 : i32
      %dma_start3A_559 = arith.constant 0 : i32
      %dma_start3A_560 = arith.constant 0 : i32
      %dma_start3A_561 = tpu.memref_slice %arg7[%dma_start3A_557, %dma_start3A_559, %dma_start3A_560] : memref<4x128x128xf32, #tpu.memory_space<vmem>> -> memref<1x128x128xf32, #tpu.memory_space<vmem>>
      %dma_start3A_562 = tpu.memref_squeeze %dma_start3A_561 : memref<1x128x128xf32, #tpu.memory_space<vmem>> -> memref<128x128xf32, #tpu.memory_space<vmem>>
      %dma_start3A_563 = arith.constant 0 : i32
      %dma_start3A_564 = tpu.memref_slice %arg4[%mul3A_556, %dma_start3A_563] : memref<819200x128xf32, #tpu.memory_space<hbm>> -> memref<128x128xf32, #tpu.memory_space<hbm>>
      %dma_start3A_565 = tpu.memref_slice %arg10[%dma_start3A_558] : memref<4x!tpu.dma_semaphore, #tpu.memory_space<semaphore_mem>> -> memref<1x!tpu.dma_semaphore, #tpu.memory_space<semaphore_mem>>
      %dma_start3A_566 = tpu.memref_squeeze %dma_start3A_565 : memref<1x!tpu.dma_semaphore, #tpu.memory_space<semaphore_mem>> -> memref<!tpu.dma_semaphore, #tpu.memory_space<semaphore_mem>>
      %dma_start3A_567 = arith.constant 0 : i32
      %dma_start3A_568 = tpu.memref_slice %arg4[%mul3A_556, %dma_start3A_567] : memref<819200x128xf32, #tpu.memory_space<hbm>> -> memref<128x128xf32, #tpu.memory_space<hbm>>
      %dma_start3A_569 = arith.constant 0 : i32
      %dma_start3A_570 = arith.constant 0 : i32
      %dma_start3A_571 = tpu.memref_slice %arg7[%dma_start3A_557, %dma_start3A_569, %dma_start3A_570] : memref<4x128x128xf32, #tpu.memory_space<vmem>> -> memref<1x128x128xf32, #tpu.memory_space<vmem>>
      %dma_start3A_572 = tpu.memref_squeeze %dma_start3A_571 : memref<1x128x128xf32, #tpu.memory_space<vmem>> -> memref<128x128xf32, #tpu.memory_space<vmem>>
      tpu.enqueue_dma source(%dma_start3A_572 : memref<128x128xf32, #tpu.memory_space<vmem>>) target(%dma_start3A_568 : memref<128x128xf32, #tpu.memory_space<hbm>>) target_semaphore(%dma_start3A_566 : memref<!tpu.dma_semaphore, #tpu.memory_space<semaphore_mem>>)
      %dma_wait3A_573 = arith.constant 2 : i32
      %dma_wait3A_574 = arith.constant 2 : i32
      %dma_wait3A_575 = arith.constant 2 : i32
      %dma_wait3A_576 = arith.constant 0 : i32
      %dma_wait3A_577 = arith.constant 0 : i32
      %dma_wait3A_578 = tpu.memref_slice %arg7[%dma_wait3A_574, %dma_wait3A_576, %dma_wait3A_577] : memref<4x128x128xf32, #tpu.memory_space<vmem>> -> memref<1x128x128xf32, #tpu.memory_space<vmem>>
      %dma_wait3A_579 = tpu.memref_squeeze %dma_wait3A_578 : memref<1x128x128xf32, #tpu.memory_space<vmem>> -> memref<128x128xf32, #tpu.memory_space<vmem>>
      %dma_wait3A_580 = arith.constant 0 : i32
      %dma_wait3A_581 = tpu.memref_slice %arg6[%dma_wait3A_573, %dma_wait3A_580] : memref<4x128xi32, #tpu.memory_space<vmem>> -> memref<1x128xi32, #tpu.memory_space<vmem>>
      %dma_wait3A_582 = tpu.memref_squeeze %dma_wait3A_581 : memref<1x128xi32, #tpu.memory_space<vmem>> -> memref<128xi32, #tpu.memory_space<vmem>>
      %dma_wait3A_583 = arith.constant 0 : i32
      %dma_wait3A_584 = arith.constant 0 : i32
      %dma_wait3A_585 = tpu.memref_slice %arg3[%dma_wait3A_583, %dma_wait3A_584] : memref<100000x128xf32, #tpu.memory_space<hbm>> -> memref<100000x128xf32, #tpu.memory_space<hbm>>
      %dma_wait3A_586 = tpu.memref_slice %arg9[%dma_wait3A_575] : memref<4x!tpu.dma_semaphore, #tpu.memory_space<semaphore_mem>> -> memref<1x!tpu.dma_semaphore, #tpu.memory_space<semaphore_mem>>
      %dma_wait3A_587 = tpu.memref_squeeze %dma_wait3A_586 : memref<1x!tpu.dma_semaphore, #tpu.memory_space<semaphore_mem>> -> memref<!tpu.dma_semaphore, #tpu.memory_space<semaphore_mem>>
      tpu.wait_indirect_dma semaphore(%dma_wait3A_587 : memref<!tpu.dma_semaphore, #tpu.memory_space<semaphore_mem>>) src(%dma_wait3A_585 : memref<100000x128xf32, #tpu.memory_space<hbm>>) dst(%dma_wait3A_579 : memref<128x128xf32, #tpu.memory_space<vmem>>)
      %add3A_588 = arith.constant 2 : i32
      %add3A_589 = arith.addi %add3A_348, %add3A_588 : i32
      %mul3A_590 = arith.constant 128 : i32
      %mul3A_591 = arith.muli %add3A_589, %mul3A_590 : i32
      %dma_start3A_592 = arith.constant 2 : i32
      %dma_start3A_593 = arith.constant 2 : i32
      %dma_start3A_594 = arith.constant 0 : i32
      %dma_start3A_595 = arith.constant 0 : i32
      %dma_start3A_596 = tpu.memref_slice %arg7[%dma_start3A_592, %dma_start3A_594, %dma_start3A_595] : memref<4x128x128xf32, #tpu.memory_space<vmem>> -> memref<1x128x128xf32, #tpu.memory_space<vmem>>
      %dma_start3A_597 = tpu.memref_squeeze %dma_start3A_596 : memref<1x128x128xf32, #tpu.memory_space<vmem>> -> memref<128x128xf32, #tpu.memory_space<vmem>>
      %dma_start3A_598 = arith.constant 0 : i32
      %dma_start3A_599 = tpu.memref_slice %arg4[%mul3A_591, %dma_start3A_598] : memref<819200x128xf32, #tpu.memory_space<hbm>> -> memref<128x128xf32, #tpu.memory_space<hbm>>
      %dma_start3A_600 = tpu.memref_slice %arg10[%dma_start3A_593] : memref<4x!tpu.dma_semaphore, #tpu.memory_space<semaphore_mem>> -> memref<1x!tpu.dma_semaphore, #tpu.memory_space<semaphore_mem>>
      %dma_start3A_601 = tpu.memref_squeeze %dma_start3A_600 : memref<1x!tpu.dma_semaphore, #tpu.memory_space<semaphore_mem>> -> memref<!tpu.dma_semaphore, #tpu.memory_space<semaphore_mem>>
      %dma_start3A_602 = arith.constant 0 : i32
      %dma_start3A_603 = tpu.memref_slice %arg4[%mul3A_591, %dma_start3A_602] : memref<819200x128xf32, #tpu.memory_space<hbm>> -> memref<128x128xf32, #tpu.memory_space<hbm>>
      %dma_start3A_604 = arith.constant 0 : i32
      %dma_start3A_605 = arith.constant 0 : i32
      %dma_start3A_606 = tpu.memref_slice %arg7[%dma_start3A_592, %dma_start3A_604, %dma_start3A_605] : memref<4x128x128xf32, #tpu.memory_space<vmem>> -> memref<1x128x128xf32, #tpu.memory_space<vmem>>
      %dma_start3A_607 = tpu.memref_squeeze %dma_start3A_606 : memref<1x128x128xf32, #tpu.memory_space<vmem>> -> memref<128x128xf32, #tpu.memory_space<vmem>>
      tpu.enqueue_dma source(%dma_start3A_607 : memref<128x128xf32, #tpu.memory_space<vmem>>) target(%dma_start3A_603 : memref<128x128xf32, #tpu.memory_space<hbm>>) target_semaphore(%dma_start3A_601 : memref<!tpu.dma_semaphore, #tpu.memory_space<semaphore_mem>>)
      %dma_wait3A_608 = arith.constant 3 : i32
      %dma_wait3A_609 = arith.constant 3 : i32
      %dma_wait3A_610 = arith.constant 3 : i32
      %dma_wait3A_611 = arith.constant 0 : i32
      %dma_wait3A_612 = arith.constant 0 : i32
      %dma_wait3A_613 = tpu.memref_slice %arg7[%dma_wait3A_609, %dma_wait3A_611, %dma_wait3A_612] : memref<4x128x128xf32, #tpu.memory_space<vmem>> -> memref<1x128x128xf32, #tpu.memory_space<vmem>>
      %dma_wait3A_614 = tpu.memref_squeeze %dma_wait3A_613 : memref<1x128x128xf32, #tpu.memory_space<vmem>> -> memref<128x128xf32, #tpu.memory_space<vmem>>
      %dma_wait3A_615 = arith.constant 0 : i32
      %dma_wait3A_616 = tpu.memref_slice %arg6[%dma_wait3A_608, %dma_wait3A_615] : memref<4x128xi32, #tpu.memory_space<vmem>> -> memref<1x128xi32, #tpu.memory_space<vmem>>
      %dma_wait3A_617 = tpu.memref_squeeze %dma_wait3A_616 : memref<1x128xi32, #tpu.memory_space<vmem>> -> memref<128xi32, #tpu.memory_space<vmem>>
      %dma_wait3A_618 = arith.constant 0 : i32
      %dma_wait3A_619 = arith.constant 0 : i32
      %dma_wait3A_620 = tpu.memref_slice %arg3[%dma_wait3A_618, %dma_wait3A_619] : memref<100000x128xf32, #tpu.memory_space<hbm>> -> memref<100000x128xf32, #tpu.memory_space<hbm>>
      %dma_wait3A_621 = tpu.memref_slice %arg9[%dma_wait3A_610] : memref<4x!tpu.dma_semaphore, #tpu.memory_space<semaphore_mem>> -> memref<1x!tpu.dma_semaphore, #tpu.memory_space<semaphore_mem>>
      %dma_wait3A_622 = tpu.memref_squeeze %dma_wait3A_621 : memref<1x!tpu.dma_semaphore, #tpu.memory_space<semaphore_mem>> -> memref<!tpu.dma_semaphore, #tpu.memory_space<semaphore_mem>>
      tpu.wait_indirect_dma semaphore(%dma_wait3A_622 : memref<!tpu.dma_semaphore, #tpu.memory_space<semaphore_mem>>) src(%dma_wait3A_620 : memref<100000x128xf32, #tpu.memory_space<hbm>>) dst(%dma_wait3A_614 : memref<128x128xf32, #tpu.memory_space<vmem>>)
      %add3A_623 = arith.constant 3 : i32
      %add3A_624 = arith.addi %add3A_348, %add3A_623 : i32
      %mul3A_625 = arith.constant 128 : i32
      %mul3A_626 = arith.muli %add3A_624, %mul3A_625 : i32
      %dma_start3A_627 = arith.constant 3 : i32
      %dma_start3A_628 = arith.constant 3 : i32
      %dma_start3A_629 = arith.constant 0 : i32
      %dma_start3A_630 = arith.constant 0 : i32
      %dma_start3A_631 = tpu.memref_slice %arg7[%dma_start3A_627, %dma_start3A_629, %dma_start3A_630] : memref<4x128x128xf32, #tpu.memory_space<vmem>> -> memref<1x128x128xf32, #tpu.memory_space<vmem>>
      %dma_start3A_632 = tpu.memref_squeeze %dma_start3A_631 : memref<1x128x128xf32, #tpu.memory_space<vmem>> -> memref<128x128xf32, #tpu.memory_space<vmem>>
      %dma_start3A_633 = arith.constant 0 : i32
      %dma_start3A_634 = tpu.memref_slice %arg4[%mul3A_626, %dma_start3A_633] : memref<819200x128xf32, #tpu.memory_space<hbm>> -> memref<128x128xf32, #tpu.memory_space<hbm>>
      %dma_start3A_635 = tpu.memref_slice %arg10[%dma_start3A_628] : memref<4x!tpu.dma_semaphore, #tpu.memory_space<semaphore_mem>> -> memref<1x!tpu.dma_semaphore, #tpu.memory_space<semaphore_mem>>
      %dma_start3A_636 = tpu.memref_squeeze %dma_start3A_635 : memref<1x!tpu.dma_semaphore, #tpu.memory_space<semaphore_mem>> -> memref<!tpu.dma_semaphore, #tpu.memory_space<semaphore_mem>>
      %dma_start3A_637 = arith.constant 0 : i32
      %dma_start3A_638 = tpu.memref_slice %arg4[%mul3A_626, %dma_start3A_637] : memref<819200x128xf32, #tpu.memory_space<hbm>> -> memref<128x128xf32, #tpu.memory_space<hbm>>
      %dma_start3A_639 = arith.constant 0 : i32
      %dma_start3A_640 = arith.constant 0 : i32
      %dma_start3A_641 = tpu.memref_slice %arg7[%dma_start3A_627, %dma_start3A_639, %dma_start3A_640] : memref<4x128x128xf32, #tpu.memory_space<vmem>> -> memref<1x128x128xf32, #tpu.memory_space<vmem>>
      %dma_start3A_642 = tpu.memref_squeeze %dma_start3A_641 : memref<1x128x128xf32, #tpu.memory_space<vmem>> -> memref<128x128xf32, #tpu.memory_space<vmem>>
      tpu.enqueue_dma source(%dma_start3A_642 : memref<128x128xf32, #tpu.memory_space<vmem>>) target(%dma_start3A_638 : memref<128x128xf32, #tpu.memory_space<hbm>>) target_semaphore(%dma_start3A_636 : memref<!tpu.dma_semaphore, #tpu.memory_space<semaphore_mem>>)
      %lt3A_643 = arith.constant 24 : i32
      %lt3A_644 = arith.cmpi slt, %scan3A_105, %lt3A_643 : i32
      %convert_element_type3A_645 = arith.extui %lt3A_644 : i1 to i32
      %cond3A_646 = arith.constant 0 : i32
      %cond3A_647 = arith.cmpi ne, %convert_element_type3A_645, %cond3A_646 : i32
      scf.if %cond3A_647 {
        %add3A_649 = arith.constant 8 : i32
        %add3A_650 = arith.addi %add3A_348, %add3A_649 : i32
        %dma_start3A_651 = arith.constant 1 : i32
        %dma_start3A_652 = arith.constant 0 : i32
        %dma_start3A_653 = tpu.memref_slice %arg2[%add3A_650, %dma_start3A_652] : memref<6400x128xi32, #tpu.memory_space<hbm>> -> memref<4x128xi32, #tpu.memory_space<hbm>>
        %dma_start3A_654 = tpu.memref_slice %arg8[%dma_start3A_651] : memref<2x!tpu.dma_semaphore, #tpu.memory_space<semaphore_mem>> -> memref<1x!tpu.dma_semaphore, #tpu.memory_space<semaphore_mem>>
        %dma_start3A_655 = tpu.memref_squeeze %dma_start3A_654 : memref<1x!tpu.dma_semaphore, #tpu.memory_space<semaphore_mem>> -> memref<!tpu.dma_semaphore, #tpu.memory_space<semaphore_mem>>
        %dma_start3A_656 = arith.constant 0 : i32
        %dma_start3A_657 = tpu.memref_slice %arg2[%add3A_650, %dma_start3A_656] : memref<6400x128xi32, #tpu.memory_space<hbm>> -> memref<4x128xi32, #tpu.memory_space<hbm>>
        tpu.enqueue_dma source(%dma_start3A_657 : memref<4x128xi32, #tpu.memory_space<hbm>>) target(%arg6 : memref<4x128xi32, #tpu.memory_space<vmem>>) target_semaphore(%dma_start3A_655 : memref<!tpu.dma_semaphore, #tpu.memory_space<semaphore_mem>>)
      } else {
      }
      %scan3A_648 = arith.constant 0 : i32
      scf.yield %scan3A_648 : i32
    }
    %scan3A_23 = arith.constant 25 : i32
    %add3A_24 = arith.constant 196 : i32
    %add3A_25 = arith.addi %mul3A_2, %add3A_24 : i32
    %add3A_26 = arith.constant 0 : i32
    %add3A_27 = arith.addi %add3A_25, %add3A_26 : i32
    %mul3A_28 = arith.constant 128 : i32
    %mul3A_29 = arith.muli %add3A_27, %mul3A_28 : i32
    %dma_wait3A = arith.constant 0 : i32
    %dma_wait3A_30 = arith.constant 0 : i32
    %dma_wait3A_31 = arith.constant 0 : i32
    %dma_wait3A_32 = arith.constant 0 : i32
    %dma_wait3A_33 = tpu.memref_slice %arg7[%dma_wait3A, %dma_wait3A_31, %dma_wait3A_32] : memref<4x128x128xf32, #tpu.memory_space<vmem>> -> memref<1x128x128xf32, #tpu.memory_space<vmem>>
    %dma_wait3A_34 = tpu.memref_squeeze %dma_wait3A_33 : memref<1x128x128xf32, #tpu.memory_space<vmem>> -> memref<128x128xf32, #tpu.memory_space<vmem>>
    %dma_wait3A_35 = arith.constant 0 : i32
    %dma_wait3A_36 = tpu.memref_slice %arg4[%mul3A_29, %dma_wait3A_35] : memref<819200x128xf32, #tpu.memory_space<hbm>> -> memref<128x128xf32, #tpu.memory_space<hbm>>
    %dma_wait3A_37 = tpu.memref_slice %arg10[%dma_wait3A_30] : memref<4x!tpu.dma_semaphore, #tpu.memory_space<semaphore_mem>> -> memref<1x!tpu.dma_semaphore, #tpu.memory_space<semaphore_mem>>
    %dma_wait3A_38 = tpu.memref_squeeze %dma_wait3A_37 : memref<1x!tpu.dma_semaphore, #tpu.memory_space<semaphore_mem>> -> memref<!tpu.dma_semaphore, #tpu.memory_space<semaphore_mem>>
    %dma_wait3A_39 = arith.constant 0 : i32
    %dma_wait3A_40 = tpu.memref_slice %arg4[%mul3A_29, %dma_wait3A_39] : memref<819200x128xf32, #tpu.memory_space<hbm>> -> memref<128x128xf32, #tpu.memory_space<hbm>>
    %dma_wait3A_41 = arith.constant 0 : i32
    %dma_wait3A_42 = arith.constant 0 : i32
    %dma_wait3A_43 = tpu.memref_slice %arg7[%dma_wait3A, %dma_wait3A_41, %dma_wait3A_42] : memref<4x128x128xf32, #tpu.memory_space<vmem>> -> memref<1x128x128xf32, #tpu.memory_space<vmem>>
    %dma_wait3A_44 = tpu.memref_squeeze %dma_wait3A_43 : memref<1x128x128xf32, #tpu.memory_space<vmem>> -> memref<128x128xf32, #tpu.memory_space<vmem>>
    tpu.wait_dma2 semaphore(%dma_wait3A_38 : memref<!tpu.dma_semaphore, #tpu.memory_space<semaphore_mem>>) src(%dma_wait3A_44 : memref<128x128xf32, #tpu.memory_space<vmem>>) dst(%dma_wait3A_40 : memref<128x128xf32, #tpu.memory_space<hbm>>)
    %add3A_45 = arith.constant 1 : i32
    %add3A_46 = arith.addi %add3A_25, %add3A_45 : i32
    %mul3A_47 = arith.constant 128 : i32
    %mul3A_48 = arith.muli %add3A_46, %mul3A_47 : i32
    %dma_wait3A_49 = arith.constant 1 : i32
    %dma_wait3A_50 = arith.constant 1 : i32
    %dma_wait3A_51 = arith.constant 0 : i32
    %dma_wait3A_52 = arith.constant 0 : i32
    %dma_wait3A_53 = tpu.memref_slice %arg7[%dma_wait3A_49, %dma_wait3A_51, %dma_wait3A_52] : memref<4x128x128xf32, #tpu.memory_space<vmem>> -> memref<1x128x128xf32, #tpu.memory_space<vmem>>
    %dma_wait3A_54 = tpu.memref_squeeze %dma_wait3A_53 : memref<1x128x128xf32, #tpu.memory_space<vmem>> -> memref<128x128xf32, #tpu.memory_space<vmem>>
    %dma_wait3A_55 = arith.constant 0 : i32
    %dma_wait3A_56 = tpu.memref_slice %arg4[%mul3A_48, %dma_wait3A_55] : memref<819200x128xf32, #tpu.memory_space<hbm>> -> memref<128x128xf32, #tpu.memory_space<hbm>>
    %dma_wait3A_57 = tpu.memref_slice %arg10[%dma_wait3A_50] : memref<4x!tpu.dma_semaphore, #tpu.memory_space<semaphore_mem>> -> memref<1x!tpu.dma_semaphore, #tpu.memory_space<semaphore_mem>>
    %dma_wait3A_58 = tpu.memref_squeeze %dma_wait3A_57 : memref<1x!tpu.dma_semaphore, #tpu.memory_space<semaphore_mem>> -> memref<!tpu.dma_semaphore, #tpu.memory_space<semaphore_mem>>
    %dma_wait3A_59 = arith.constant 0 : i32
    %dma_wait3A_60 = tpu.memref_slice %arg4[%mul3A_48, %dma_wait3A_59] : memref<819200x128xf32, #tpu.memory_space<hbm>> -> memref<128x128xf32, #tpu.memory_space<hbm>>
    %dma_wait3A_61 = arith.constant 0 : i32
    %dma_wait3A_62 = arith.constant 0 : i32
    %dma_wait3A_63 = tpu.memref_slice %arg7[%dma_wait3A_49, %dma_wait3A_61, %dma_wait3A_62] : memref<4x128x128xf32, #tpu.memory_space<vmem>> -> memref<1x128x128xf32, #tpu.memory_space<vmem>>
    %dma_wait3A_64 = tpu.memref_squeeze %dma_wait3A_63 : memref<1x128x128xf32, #tpu.memory_space<vmem>> -> memref<128x128xf32, #tpu.memory_space<vmem>>
    tpu.wait_dma2 semaphore(%dma_wait3A_58 : memref<!tpu.dma_semaphore, #tpu.memory_space<semaphore_mem>>) src(%dma_wait3A_64 : memref<128x128xf32, #tpu.memory_space<vmem>>) dst(%dma_wait3A_60 : memref<128x128xf32, #tpu.memory_space<hbm>>)
    %add3A_65 = arith.constant 2 : i32
    %add3A_66 = arith.addi %add3A_25, %add3A_65 : i32
    %mul3A_67 = arith.constant 128 : i32
    %mul3A_68 = arith.muli %add3A_66, %mul3A_67 : i32
    %dma_wait3A_69 = arith.constant 2 : i32
    %dma_wait3A_70 = arith.constant 2 : i32
    %dma_wait3A_71 = arith.constant 0 : i32
    %dma_wait3A_72 = arith.constant 0 : i32
    %dma_wait3A_73 = tpu.memref_slice %arg7[%dma_wait3A_69, %dma_wait3A_71, %dma_wait3A_72] : memref<4x128x128xf32, #tpu.memory_space<vmem>> -> memref<1x128x128xf32, #tpu.memory_space<vmem>>
    %dma_wait3A_74 = tpu.memref_squeeze %dma_wait3A_73 : memref<1x128x128xf32, #tpu.memory_space<vmem>> -> memref<128x128xf32, #tpu.memory_space<vmem>>
    %dma_wait3A_75 = arith.constant 0 : i32
    %dma_wait3A_76 = tpu.memref_slice %arg4[%mul3A_68, %dma_wait3A_75] : memref<819200x128xf32, #tpu.memory_space<hbm>> -> memref<128x128xf32, #tpu.memory_space<hbm>>
    %dma_wait3A_77 = tpu.memref_slice %arg10[%dma_wait3A_70] : memref<4x!tpu.dma_semaphore, #tpu.memory_space<semaphore_mem>> -> memref<1x!tpu.dma_semaphore, #tpu.memory_space<semaphore_mem>>
    %dma_wait3A_78 = tpu.memref_squeeze %dma_wait3A_77 : memref<1x!tpu.dma_semaphore, #tpu.memory_space<semaphore_mem>> -> memref<!tpu.dma_semaphore, #tpu.memory_space<semaphore_mem>>
    %dma_wait3A_79 = arith.constant 0 : i32
    %dma_wait3A_80 = tpu.memref_slice %arg4[%mul3A_68, %dma_wait3A_79] : memref<819200x128xf32, #tpu.memory_space<hbm>> -> memref<128x128xf32, #tpu.memory_space<hbm>>
    %dma_wait3A_81 = arith.constant 0 : i32
    %dma_wait3A_82 = arith.constant 0 : i32
    %dma_wait3A_83 = tpu.memref_slice %arg7[%dma_wait3A_69, %dma_wait3A_81, %dma_wait3A_82] : memref<4x128x128xf32, #tpu.memory_space<vmem>> -> memref<1x128x128xf32, #tpu.memory_space<vmem>>
    %dma_wait3A_84 = tpu.memref_squeeze %dma_wait3A_83 : memref<1x128x128xf32, #tpu.memory_space<vmem>> -> memref<128x128xf32, #tpu.memory_space<vmem>>
    tpu.wait_dma2 semaphore(%dma_wait3A_78 : memref<!tpu.dma_semaphore, #tpu.memory_space<semaphore_mem>>) src(%dma_wait3A_84 : memref<128x128xf32, #tpu.memory_space<vmem>>) dst(%dma_wait3A_80 : memref<128x128xf32, #tpu.memory_space<hbm>>)
    %add3A_85 = arith.constant 3 : i32
    %add3A_86 = arith.addi %add3A_25, %add3A_85 : i32
    %mul3A_87 = arith.constant 128 : i32
    %mul3A_88 = arith.muli %add3A_86, %mul3A_87 : i32
    %dma_wait3A_89 = arith.constant 3 : i32
    %dma_wait3A_90 = arith.constant 3 : i32
    %dma_wait3A_91 = arith.constant 0 : i32
    %dma_wait3A_92 = arith.constant 0 : i32
    %dma_wait3A_93 = tpu.memref_slice %arg7[%dma_wait3A_89, %dma_wait3A_91, %dma_wait3A_92] : memref<4x128x128xf32, #tpu.memory_space<vmem>> -> memref<1x128x128xf32, #tpu.memory_space<vmem>>
    %dma_wait3A_94 = tpu.memref_squeeze %dma_wait3A_93 : memref<1x128x128xf32, #tpu.memory_space<vmem>> -> memref<128x128xf32, #tpu.memory_space<vmem>>
    %dma_wait3A_95 = arith.constant 0 : i32
    %dma_wait3A_96 = tpu.memref_slice %arg4[%mul3A_88, %dma_wait3A_95] : memref<819200x128xf32, #tpu.memory_space<hbm>> -> memref<128x128xf32, #tpu.memory_space<hbm>>
    %dma_wait3A_97 = tpu.memref_slice %arg10[%dma_wait3A_90] : memref<4x!tpu.dma_semaphore, #tpu.memory_space<semaphore_mem>> -> memref<1x!tpu.dma_semaphore, #tpu.memory_space<semaphore_mem>>
    %dma_wait3A_98 = tpu.memref_squeeze %dma_wait3A_97 : memref<1x!tpu.dma_semaphore, #tpu.memory_space<semaphore_mem>> -> memref<!tpu.dma_semaphore, #tpu.memory_space<semaphore_mem>>
    %dma_wait3A_99 = arith.constant 0 : i32
    %dma_wait3A_100 = tpu.memref_slice %arg4[%mul3A_88, %dma_wait3A_99] : memref<819200x128xf32, #tpu.memory_space<hbm>> -> memref<128x128xf32, #tpu.memory_space<hbm>>
    %dma_wait3A_101 = arith.constant 0 : i32
    %dma_wait3A_102 = arith.constant 0 : i32
    %dma_wait3A_103 = tpu.memref_slice %arg7[%dma_wait3A_89, %dma_wait3A_101, %dma_wait3A_102] : memref<4x128x128xf32, #tpu.memory_space<vmem>> -> memref<1x128x128xf32, #tpu.memory_space<vmem>>
    %dma_wait3A_104 = tpu.memref_squeeze %dma_wait3A_103 : memref<1x128x128xf32, #tpu.memory_space<vmem>> -> memref<128x128xf32, #tpu.memory_space<vmem>>
    tpu.wait_dma2 semaphore(%dma_wait3A_98 : memref<!tpu.dma_semaphore, #tpu.memory_space<semaphore_mem>>) src(%dma_wait3A_104 : memref<128x128xf32, #tpu.memory_space<vmem>>) dst(%dma_wait3A_100 : memref<128x128xf32, #tpu.memory_space<hbm>>)
    return
  }
}

</mosaic_0001>

<sc_bundles>
// kernel: _gather.3.cloned.1.call-start
scs
__scs_entry_jumppad:
0x0: {  	(pc) =	sbr.rel $0x88, $3  }
0x1: {  	(tag) =	ssettag $0x0;
	lr =	simm.s32 $0x1  }
0x2: {  	[smem:$0x3F9F] =	sst lr;
	_ =	strace $0xD0000000  }
0x3: {  	_ = 	snop  }
0x4: {  	_ = 	snop  }
0x5: {  	_ = 	snop  }
0x6: {  	_ = 	snop  }
0x7: {  	_ = 	snop  }
__scs_overlays_trampoline_lowered:
0x8: {  	[smem:$0x3FAE] =	sst s0  }
0x9: {  	[smem:$0x3FAF] =	sst s1  }
0xa: {  	[smem:$0x3FB0] =	sst s2  }
0xb: {  	[smem:$0x3FB1] =	sst s3  }
0xc: {  	[smem:$0x3FB2] =	sst s4  }
0xd: {  	[smem:$0x3FB3] =	sst s5  }
0xe: {  	[smem:$0x3FB4] =	sst s6  }
0xf: {  	[smem:$0x3FB5] =	sst s7  }
0x10: {  	[smem:$0x3FB6] =	sst s8  }
0x11: {  	[smem:$0x3FB7] =	sst s9;
	s0 =	simm.s32 @!p0 $0x0  }
0x12: {  	s1 =	sld [smem:$0x3F9D];
	s0 =	simm.s32 @p0 $0x1  }
0x13: {  	[smem:$0x3FB8] =	sst s0;
	s0 =	simm.s32 @!p1 $0x0  }
0x14: {  	s2 =	sld [smem:$0x3F9C];
	s0 =	simm.s32 @p1 $0x1  }
0x15: {  	[smem:$0x3FB9] =	sst s0;
	s0 =	simm.s32 @!p2 $0x0  }
0x16: {  	s3 =	sld [smem:$0x3FDB];
	s0 =	simm.s32 @p2 $0x1  }
0x17: {  	s4 =	simm.s32 $0x1BF5;
	[smem:$0x3FBB] =	sst s0  }
0x18: {  	s0 =	sld [smem:$0x3F9E];
	_ =	swait.ge [sflag:s4], $0x0  }
0x19: {  	s7 =	sld [smem:$0x3F9F]  }
0x1a: {  	s8 =	sadd.s32 $0xFFFFE003, lr  }
0x1b: {  	s9 =	sadd.s32 $0xFFFFFEF7, lr;
	s5 =	simm.s32 $0xFFFFFFFF;
	p2 =	slt.u32 s8, $0xFFFFF086  }
0x1c: {  	p1 =	slt.u32 s9, $0xF7A;
	s5 =	simm.s32 @!p2 $0x0  }
0x1d: {  	s5 =	simm.s32 @p1 $0x1;
	p0 =	seq.s32 s7, s2  }
0x1e: {  	s7 =	smul.u32 @!p0 $0xF7A, s2;
	p2 =	seq.s32 @!p0 s5, $0x0  }
0x1f: {  	s9 =	smul.u32 $0xF7A, s1;
	s8 =	simm.s32 @!p0 $0x1BF5;
	p2 =	por !p2, p0  }
0x20: {  	[sflag:s8] =	ssyncset.s32 @!p0 $0xFFFFF086;
	s6 =	sadd.s32 @!p0 s3, s7;
	s7 =	simm.s32 @!p0 $0x108  }
0x21: {  	s3 =	sadd.s32 s3, s9;
	s6 =	sadd.s32 @!p0 $0x88, s6;
	s7 =	simm.s32 @p2 $0x1082  }
0x22: {  	[simem:s7], [sflag:s8] =	dma.local @!p0 [hbm:s6], $0xF7A  }
0x23: {  	s9 =	sor.u32 $0xD0000000, s2;
	s6 =	simm.s32 $0x108;
	_ =	swait.ge @!p0 [sflag:s8], $0x0  }
0x24: {  	s3 =	sadd.s32 $0x88, s3;
	s6 =	simm.s32 @!p1 $0x1082;
	[sflag:s4] =	ssyncset.s32 $0xFFFFF086  }
0x25: {  	[simem:s6], [sflag:s4] =	dma.local [hbm:s3], $0xF7A  }
0x26: {  	[smem:$0x3F9F] =	sst s1;
	(tag) =	ssettag s2;
	_ =	strace s9  }
0x27: {  	s1 =	sld [smem:$0x3FAF]  }
0x28: {  	s2 =	sld [smem:$0x3FB0]  }
0x29: {  	s4 =	sld [smem:$0x3FB2]  }
0x2a: {  	p0 =	seq.s32 s5, $0x0;
	s5 =	sld [smem:$0x3FB3]  }
0x2b: {  	s6 =	sld [smem:$0x3FB4]  }
0x2c: {  	s7 =	sld [smem:$0x3FB5]  }
0x2d: {  	s3 =	simm.s32 $0x108;
	s8 =	sld [smem:$0x3FB6]  }
0x2e: {  	s3 =	simm.s32 @!p0 $0x1082;
	s9 =	sld [smem:$0x3FB7]  }
0x2f: {  	lr =	sadd.s32 s0, s3;
	s0 =	sld [smem:$0x3FAE]  }
0x30: {  	s3 =	sld [smem:$0x3FB1]  }
0x31: {  	[smem:$0x3FBA] =	sst s10  }
0x32: {  	s10 =	sld [smem:$0x3FB8];
	_ =	sdelay $0x3  }
0x33: {  	p0 =	seq.s32 s10, $0x1;
	s10 =	sld [smem:$0x3FBA];
	_ =	sdelay $0x3  }
0x34: {  	[smem:$0x3FBA] =	sst s10  }
0x35: {  	s10 =	sld [smem:$0x3FB9];
	_ =	sdelay $0x3  }
0x36: {  	p1 =	seq.s32 s10, $0x1;
	s10 =	sld [smem:$0x3FBA];
	_ =	sdelay $0x3  }
0x37: {  	[smem:$0x3FBA] =	sst s10  }
0x38: {  	s10 =	sld [smem:$0x3FBB]  }
0x39: {  	_ = 	snop;
	(pc) =	sbr.ind lr, $3  }
0x3a: {  	_ = 	snop  }
0x3b: {  	_ = 	snop  }
0x3c: {  	p2 =	seq.s32 s10, $0x1;
	s10 =	sld [smem:$0x3FBA]  }
0x3d: {  	_ =	shalt  }
0x3e: {  	_ =	shalt  }
0x3f: {  	_ =	shalt  }
0x40: {  	_ =	shalt  }
0x41: {  	_ =	shalt  }
0x42: {  	_ =	shalt  }
0x43: {  	_ =	shalt  }
0x44: {  	_ =	shalt  }
0x45: {  	_ =	shalt  }
0x46: {  	_ =	shalt  }
0x47: {  	_ =	shalt  }
0x48: {  	_ =	shalt  }
0x49: {  	_ =	shalt  }
0x4a: {  	_ =	shalt  }
0x4b: {  	_ =	shalt  }
0x4c: {  	_ =	shalt  }
0x4d: {  	_ =	shalt  }
0x4e: {  	_ =	shalt  }
0x4f: {  	_ =	shalt  }
0x50: {  	_ =	shalt  }
0x51: {  	_ =	shalt  }
0x52: {  	_ =	shalt  }
0x53: {  	_ =	shalt  }
0x54: {  	_ =	shalt  }
0x55: {  	_ =	shalt  }
0x56: {  	_ =	shalt  }
0x57: {  	_ =	shalt  }
0x58: {  	_ =	shalt  }
0x59: {  	_ =	shalt  }
0x5a: {  	_ =	shalt  }
0x5b: {  	_ =	shalt  }
0x5c: {  	_ =	shalt  }
0x5d: {  	_ =	shalt  }
0x5e: {  	_ =	shalt  }
0x5f: {  	_ =	shalt  }
0x60: {  	_ =	shalt  }
0x61: {  	_ =	shalt  }
0x62: {  	_ =	shalt  }
0x63: {  	_ =	shalt  }
0x64: {  	_ =	shalt  }
0x65: {  	_ =	shalt  }
0x66: {  	_ =	shalt  }
0x67: {  	_ =	shalt  }
0x68: {  	_ =	shalt  }
0x69: {  	_ =	shalt  }
0x6a: {  	_ =	shalt  }
0x6b: {  	_ =	shalt  }
0x6c: {  	_ =	shalt  }
0x6d: {  	_ =	shalt  }
0x6e: {  	_ =	shalt  }
0x6f: {  	_ =	shalt  }
0x70: {  	_ =	shalt  }
0x71: {  	_ =	shalt  }
0x72: {  	_ =	shalt  }
0x73: {  	_ =	shalt  }
0x74: {  	_ =	shalt  }
0x75: {  	_ =	shalt  }
0x76: {  	_ =	shalt  }
0x77: {  	_ =	shalt  }
0x78: {  	_ =	shalt  }
0x79: {  	_ =	shalt  }
0x7a: {  	_ =	shalt  }
0x7b: {  	_ =	shalt  }
0x7c: {  	_ =	shalt  }
0x7d: {  	_ =	shalt  }
0x7e: {  	_ =	shalt  }
0x7f: {  	_ =	shalt  }
0x80: {  	_ =	shalt  }
0x81: {  	_ =	shalt  }
0x82: {  	_ =	shalt  }
0x83: {  	_ =	shalt  }
0x84: {  	_ =	shalt  }
0x85: {  	_ =	shalt  }
0x86: {  	_ =	shalt  }
0x87: {  	_ =	shalt  }
.Lfunc_end0:
.L_simem_size_0:
called_computation_lowered:
.L_overlay_start_0:
0x88: {  	s2 =	sld [smem:$0x3FD9]  }
0x89: {  	s3 =	sld [smem:$0x3FFE];
	_ =	sdelay $0x1  }
0x8a: {  	s1 =	srdreg.scid  }
0x8b: {  	s0 =	sand.u32 $0x1, s1  }
0x8c: {  	s18 =	sshll.u32 s0, $0xA;
	s2 =	sadd.s32 s3, s2  }
0x8d: {  	s2 =	sadd.s32 s2, s18  }
0x8e: {  	[smem:$0x3FC6] =	sst s2  }
0x8f: {  	_ = 	snop  }
0x90: {  	s2 =	sld [smem:$0x3FC9]  }
0x91: {  	s19 =	sld [smem:$0x3FC8]  }
0x92: {  	s4 =	sld [smem:$0x3FD0];
	(tm) =	ssettm $0x1  }
0x93: {  	s5 =	sld [smem:$0x3FFB];
	_ =	sdelay $0x3  }
0x94: {  	_ =	strace s5  }
0x95: {  	s5 =	sld [smem:$0x3FFC];
	_ =	sdelay $0x3  }
0x96: {  	_ =	strace s5  }
0x97: {  	s5 =	sld [smem:$0x3FFD];
	_ =	sdelay $0x3  }
0x98: {  	_ =	strace s5  }
0x99: {  	_ =	strace $0x8FFFFFFF  }
0x9a: {  	s20 =	sld [smem:$0x3FDB];
	_ =	sdelay $0x1  }
0x9b: {  	s6 =	simm.s32 $_scs_section_size  }
0x9c: {  	s7 =	simm.s32 $_size__tile_overlayer_lowered;
	s8 =	simm.s32 $_tile_overlayer_lowered  }
0x9d: {  	s23 =	simm.s32 $0x1BFF;
	s22 =	sshll.u32 s8, $0x1;
	s5 =	sadd.s32 s6, s20  }
0x9e: {  	s9 =	simm.s32 $0x0;
	s21 =	sshll.u32 s7, $0x1;
	s7 =	sadd.s32 s22, s5  }
0x9f: {  	[timem:s9], [sflag:s23] =	dma.local [hbm:s7], s21  }
0xa0: {  	_ =	swait.ge [sflag:s23], s21  }
0xa1: {  	s6 =	ssub.s32 $0x0, s21;
	[sflag:s23] =	ssyncset.done $0x0  }
0xa2: {  	[sflag:s23] =	ssyncadd.s32 s6;
	_ =	sdelay $0x1  }
0xa3: {  	s24 =	simm.s32 $0x1B8B  }
0xa4: {  	_ =	swait.ge [sflag:s24], $0x1  }
0xa5: {  	[sflag:s24] =	ssyncset.done $0x0  }
0xa6: {  	s25 =	simm.s32 $0x1B8E;
	[sflag:s24] =	ssyncadd.s32 $0xFFFFFFFF  }
0xa7: {  	s26 =	simm.s32 $execute0_lowered;
	[smem:$0x3FD2] =	sst s25  }
0xa8: {  	s6 =	sshll.u32 s26, $0x1;
	_ =	strace $0x80000046;
	[dreg:$0x1] =	wrdreg $0xFFFFFFFF  }
0xa9: {  	s28 =	simm.s32 $_size_execute0_lowered;
	s5 =	sadd.s32 s5, s6;
	[dreg:$0x0] =	wrdreg $0x0  }
0xaa: {  	s6 =	sshll.u32 s28, $0x1;
	[dreg:$0x2] =	wrdreg s5  }
0xab: {  	[dreg:$0x3] =	wrdreg s6  }
0xac: {  	[dreg:$0x4] =	wrdreg $0xC0  }
0xad: {  	_ =	task [dreg:s9], $0x5FFFF  }
0xae: {  	[dreg:$0x1] =	wrdreg $0xFFFFFFFF  }
0xaf: {  	[dreg:$0x0] =	wrdreg $0x60  }
0xb0: {  	[dreg:$0x2] =	wrdreg s2  }
0xb1: {  	[dreg:$0x3] =	wrdreg s19  }
0xb2: {  	[dreg:$0x4] =	wrdreg s4  }
0xb3: {  	[dreg:$0x5] =	wrdreg $0x9  }
0xb4: {  	_ =	task.clear_ibuf [dreg:s9], $0x6FFFF;
	_ =	strace $0x90000046  }
0xb5: {  	s29 =	simm.s32 $0x9;
	_ =	strace $0x80000048  }
0xb6: {  	_ =	swait.ge [sflag:s29], $0x1  }
0xb7: {  	[sflag:s29] =	ssyncadd.s32 $0xFFFFFFFF  }
0xb8: {  	_ =	strace $0x90000048  }
0xb9: {  	_ =	sfence  }
0xba: {  	s30 =	sld [smem:$0x0];
	_ =	sdelay $0x2  }
0xbb: {  	s31 =	sshll.u32 s1, $0xD;
	s1 =	sshrl.u32 s1, $0x2  }
0xbc: {  	s3 =	sand.u32 $0x4000, s31;
	s1 =	sadd.s32 s1, s30  }
0xbd: {  	s0 =	sor.u32 s3, s0;
	s1 =	sshll.u32 s1, $0x11  }
0xbe: {  	s0 =	sor.u32 s1, s0  }
0xbf: {  	s0 =	sadd.s32 $0x8F2B, s0  }
0xc0: {  	[sflag:s0] =	ssyncadd.remote.s32 $0x1  }
0xc1: {  	_ =	sfence.sel $0xFFFF  }
0xc2: {  	[dreg:$0x0] =	wrdreg $0xFFFFFFFF;
	(pc) =	sbr.abs _section_cstart, $3  }
0xc3: {  	[dreg:$0x1] =	wrdreg $0xFFFFFFFF  }
0xc4: {  	_ =	task.clear_ibuf [dreg:s9], $0x2FFFF;
	_ =	strace $0x9FFFFFFF  }
0xc5: {  	(tm) =	ssettm $0x7FFFFFFF  }
tec
execute0_lowered:
.L_overlay_start_1:
0x0: {  	(tag) =	ssettag $0x1  }
0x1: {  	s0 =	rddreg [dreg:$0x0]  }
0x2: {  	s1 =	srdreg.scid;
	s2 =	rddreg [dreg:$0x1]  }
0x3: {  	s10 =	stileid.u32;
	s6 =	rddreg [dreg:$0x2];
	s11 =	simm.s32 $0x200  }
0x4: {  	s12 =	simm.s32 $0x1;
	s13 =	simm.s32 $0x80;
	s14 =	simm.s32 $0x180  }
0x5: {  	s15 =	simm.s32 $0xC400;
	s16 =	simm.s32 $0x3;
	s17 =	simm.s32 $0x400  }
0x6: {  	s18 =	simm.s32 $0x4;
	s19 =	simm.s32 $0x4400;
	s7 =	smul.u32 $0x190, s10  }
0x7: {  	s20 =	simm.s32 $0x5;
	s21 =	simm.s32 $0x8400;
	s22 =	smul.u32 $0x1900, s10  }
0x8: {  	s1 =	sand.u32 $0x1, s1;
	s3 =	sshll.u32 s10, $0x1;
	s10 =	smul.u32 $0xC8000, s10  }
0x9: {  	s28 =	simm.s32 $0x9;
	s29 =	simm.s32 $0x300;
	s9 =	smul.u32 $0xC8, s1  }
0xa: {  	s30 =	simm.s32 $0xA;
	s31 =	simm.s32 $0x380;
	s25 =	smul.u32 $0xC80, s1  }
0xb: {  	s3 =	sor.u32 s1, s3;
	s5 =	ssub.s32 $0x2, s1;
	s1 =	smul.u32 $0x64000, s1  }
0xc: {  	s4 =	smul.u32 $0xC80, s3;
	s3 =	simm.s32 $0x0;
	s8 =	sshrl.u32 s5, $0x1  }
0xd: {  	[smem:$0x7FF] =	sst s3;
	s5 =	ssub.s32 s5, s8;
	s7 =	sadd.s32 s9, s7  }
0xe: {  	_ =	strace $0x80000047;
	s4 =	sadd.s32 s0, s4;
	s23 =	smax.u32 s5, $0x1  }
0xf: {  	s24 =	sshll.u32 s7, $0x4;
	s7 =	sshll.u32 s7, $0xB;
	[dreg:$0x4] =	wrdreg s4  }
0x10: {  	s4 =	sadd.s32 $0x40, s4;
	[dreg:$0x6] =	wrdreg s23;
	s5 =	sadd.s32 s24, s0  }
0x11: {  	s0 =	sadd.s32 s22, s0;
	s7 =	sadd.s32 s7, s6;
	s6 =	sadd.s32 s10, s6  }
.Ltmp0:
0x12: {  	s22 =	simm.s32 $0x6;
	s23 =	simm.s32 $0x2;
	(pc) =	sbr.rel .LBB2_1-.Ltmp0, $4  }
0x13: {  	s24 =	simm.s32 $0x7;
	[dreg:$0x5] =	wrdreg s4;
	s26 =	sadd.s32 $0xC0, s5  }
0x14: {  	s0 =	sadd.s32 s25, s0;
	s8 =	sadd.s32 $0x2000, s7;
	s10 =	sadd.s32 s1, s6  }
0x15: {  	s25 =	simm.s32 $0x8;
	[dreg:$0x7] =	wrdreg s26;
	s0 =	sadd.s32 $0x80, s0  }
0x16: {  	s1 =	simm.s32 $0x0;
	s26 =	simm.s32 $0x280;
	[dreg:$0x8] =	wrdreg s0  }
.LBB2_4:
0x17: {  	_ =	swait.ge [sflag:s24], $0x4000  }
0x18: {  	[sflag:s24] =	ssyncset.done $0x0  }
0x19: {  	[sflag:s24] =	ssyncadd.s32 $0xFFFFC000  }
0x1a: {  	_ =	swait.ge [sflag:s25], $0x4000  }
0x1b: {  	[sflag:s25] =	ssyncset.done $0x0  }
0x1c: {  	[sflag:s25] =	ssyncadd.s32 $0xFFFFC000  }
0x1d: {  	_ =	swait.ge [sflag:s28], $0x4000  }
0x1e: {  	[sflag:s28] =	ssyncset.done $0x0  }
0x1f: {  	[sflag:s28] =	ssyncadd.s32 $0xFFFFC000  }
0x20: {  	_ =	swait.ge [sflag:s30], $0x4000  }
0x21: {  	s1 =	sadd.s32 $0x1, s1;
	s0 =	rddreg [dreg:$0x6]  }
0x22: {  	p0 =	sne.s32 s1, s0  }
.Ltmp1:
0x23: {  	_ = 	snop;
	(pc) =	sbr.rel @!p0 .LBB2_5-.Ltmp1, $3  }
0x24: {  	_ =	sdelay $0x1  }
0x25: {  	[sflag:s30] =	ssyncset.done $0x0  }
0x26: {  	[sflag:s30] =	ssyncadd.s32 $0xFFFFC000  }
.LBB2_1:
0x27: {  	s0 =	rddreg [dreg:$0x4]  }
0x28: {  	s9 =	rddreg [dreg:$0x5]  }
0x29: {  	[tilespmem:s3], [sflag:$0x1] =	stream.linear.gather [hbm4b:s0+s3], $0x200, $0x38;
	[tilespmem:$0x10400] =	vst v63  }
0x2a: {  	s7 =	rddreg [dreg:$0x7]  }
0x2b: {  	[tilespmem:s11], [sflag:$0x2] =	stream.linear.gather [hbm4b:s9+s3], $0x200, $0x38;
	[tilespmem:$0x10400] =	vst v63  }
0x2c: {  	s6 =	simm.s32 $0x0;
	s9 =	rddreg [dreg:$0x8]  }
.LBB2_2:
0x2d: {  	_ =	swait.ge [sflag:s12], $0x200  }
0x2e: {  	p0 =	sne.s32 s6, $0x0;
	[sflag:s12] =	ssyncset.done $0x0  }
0x2f: {  	s4 =	simm.s32 @p0 $0x7;
	[sflag:s12] =	ssyncadd.s32 $0xFFFFFE00  }
0x30: {  	_ =	swait.ge @p0 [sflag:s4], $0x4000  }
0x31: {  	s5 =	simm.s32 @p0 $0x0;
	[sflag:s4] =	ssyncset.done @p0 $0x0  }
0x32: {  	s0 =	simm.s32 @p0 $0x400;
	[sflag:s4] =	ssyncadd.s32 @p0 $0xFFFFC000;
	s4 =	simm.s32 @p0 $0x80  }
0x33: {  	[tilespmem:s0], [sflag:$0x3] =	stream.indirect.gather @p0 [hbm4b:s2+s4], $0x80, s5, s4, $0xb8;
	[tilespmem:$0x10400] =	vst v63  }
0x34: {  	s0 =	simm.s32 @p0 $0x8  }
0x35: {  	_ =	swait.ge @p0 [sflag:s0], $0x4000  }
0x36: {  	[sflag:s0] =	ssyncset.done @p0 $0x0  }
0x37: {  	[sflag:s0] =	ssyncadd.s32 @p0 $0xFFFFC000;
	s0 =	simm.s32 @p0 $0x4400  }
0x38: {  	[tilespmem:s0], [sflag:$0x4] =	stream.indirect.gather @p0 [hbm4b:s2+s4], $0x80, s4, s4, $0xb8;
	[tilespmem:$0x10400] =	vst v63  }
0x39: {  	s0 =	simm.s32 @p0 $0x9  }
0x3a: {  	_ =	swait.ge @p0 [sflag:s0], $0x4000  }
0x3b: {  	[sflag:s0] =	ssyncset.done @p0 $0x0  }
0x3c: {  	s5 =	simm.s32 @p0 $0x8400;
	[sflag:s0] =	ssyncadd.s32 @p0 $0xFFFFC000;
	s0 =	simm.s32 @p0 $0x100  }
0x3d: {  	[tilespmem:s5], [sflag:$0x5] =	stream.indirect.gather @p0 [hbm4b:s2+s4], $0x80, s0, s4, $0xb8;
	[tilespmem:$0x10400] =	vst v63  }
0x3e: {  	s0 =	simm.s32 @p0 $0xA  }
0x3f: {  	_ =	swait.ge @p0 [sflag:s0], $0x4000  }
0x40: {  	s4 =	simm.s32 @!p0 $0x0;
	[sflag:s0] =	ssyncset.done @p0 $0x0  }
0x41: {  	s5 =	simm.s32 @!p0 $0x400;
	[sflag:s0] =	ssyncadd.s32 @p0 $0xFFFFC000;
	s0 =	simm.s32 @!p0 $0x80  }
0x42: {  	[tilespmem:s5], [sflag:$0x3] =	stream.indirect.gather @!p0 [hbm4b:s2+s0], $0x80, s4, s0, $0xb8;
	[tilespmem:$0x10400] =	vst v63  }
0x43: {  	s4 =	simm.s32 @!p0 $0x4400  }
0x44: {  	[tilespmem:s4], [sflag:$0x4] =	stream.indirect.gather @!p0 [hbm4b:s2+s0], $0x80, s0, s0, $0xb8;
	[tilespmem:$0x10400] =	vst v63  }
0x45: {  	s5 =	simm.s32 @!p0 $0x8400;
	s4 =	simm.s32 @!p0 $0x100  }
0x46: {  	[tilespmem:s5], [sflag:$0x5] =	stream.indirect.gather @!p0 [hbm4b:s2+s0], $0x80, s4, s0, $0xb8;
	[tilespmem:$0x10400] =	vst v63  }
0x47: {  	_ = 	snop  }
0x48: {  	[tilespmem:s15], [sflag:$0x6] =	stream.indirect.gather [hbm4b:s2+s13], $0x80, s14, s13, $0xb8;
	[tilespmem:$0x10400] =	vst v63  }
0x49: {  	_ =	swait.ge [sflag:s16], $0x4000  }
0x4a: {  	[sflag:s16] =	ssyncset.done $0x0  }
0x4b: {  	s0 =	sadd.s32 s6, s10;
	[sflag:s16] =	ssyncadd.s32 $0xFFFFC000  }
0x4c: {  	[hbm4b:s0+s3] =	stream.linear.scatter [tilespmem:s17], [sflag:$0x7], $0x4000, $0x38;
	[tilespmem:$0x10400] =	vst v63  }
0x4d: {  	_ =	swait.ge [sflag:s18], $0x4000  }
0x4e: {  	[sflag:s18] =	ssyncset.done $0x0  }
0x4f: {  	s5 =	sadd.s32 $0x800, s0;
	[sflag:s18] =	ssyncadd.s32 $0xFFFFC000  }
0x50: {  	[hbm4b:s5+s3] =	stream.linear.scatter [tilespmem:s19], [sflag:$0x8], $0x4000, $0x38;
	[tilespmem:$0x10400] =	vst v63  }
0x51: {  	_ =	swait.ge [sflag:s20], $0x4000  }
0x52: {  	[sflag:s20] =	ssyncset.done $0x0  }
0x53: {  	s5 =	sadd.s32 $0x1000, s0;
	[sflag:s20] =	ssyncadd.s32 $0xFFFFC000  }
0x54: {  	[hbm4b:s5+s3] =	stream.linear.scatter [tilespmem:s21], [sflag:$0x9], $0x4000, $0x38;
	[tilespmem:$0x10400] =	vst v63  }
0x55: {  	_ =	swait.ge [sflag:s22], $0x4000  }
0x56: {  	[sflag:s22] =	ssyncset.done $0x0  }
0x57: {  	p0 =	seq.s32 s6, $0x60000;
	s0 =	sadd.s32 $0x1800, s0;
	[sflag:s22] =	ssyncadd.s32 $0xFFFFC000  }
0x58: {  	[hbm4b:s0+s3] =	stream.linear.scatter [tilespmem:s15], [sflag:$0xA], $0x4000, $0x38;
	[tilespmem:$0x10400] =	vst v63  }
0x59: {  	s0 =	simm.s32 @!p0 $0x0  }
0x5a: {  	[tilespmem:s0], [sflag:$0x1] =	stream.linear.gather @!p0 [hbm4b:s9+s0], $0x200, $0x38;
	[tilespmem:$0x10400] =	vst v63  }
0x5b: {  	_ =	swait.ge [sflag:s23], $0x200  }
0x5c: {  	[sflag:s23] =	ssyncset.done $0x0  }
0x5d: {  	[sflag:s23] =	ssyncadd.s32 $0xFFFFFE00  }
0x5e: {  	_ =	swait.ge [sflag:s24], $0x4000  }
0x5f: {  	[sflag:s24] =	ssyncset.done $0x0  }
0x60: {  	[sflag:s24] =	ssyncadd.s32 $0xFFFFC000  }
0x61: {  	[tilespmem:s17], [sflag:$0x3] =	stream.indirect.gather [hbm4b:s2+s13], $0x80, s11, s13, $0xb8;
	[tilespmem:$0x10400] =	vst v63  }
0x62: {  	_ =	swait.ge [sflag:s25], $0x4000  }
0x63: {  	[sflag:s25] =	ssyncset.done $0x0  }
0x64: {  	[sflag:s25] =	ssyncadd.s32 $0xFFFFC000  }
0x65: {  	[tilespmem:s19], [sflag:$0x4] =	stream.indirect.gather [hbm4b:s2+s13], $0x80, s26, s13, $0xb8;
	[tilespmem:$0x10400] =	vst v63  }
0x66: {  	_ =	swait.ge [sflag:s28], $0x4000  }
0x67: {  	[sflag:s28] =	ssyncset.done $0x0  }
0x68: {  	[sflag:s28] =	ssyncadd.s32 $0xFFFFC000  }
0x69: {  	[tilespmem:s21], [sflag:$0x5] =	stream.indirect.gather [hbm4b:s2+s13], $0x80, s29, s13, $0xb8;
	[tilespmem:$0x10400] =	vst v63  }
0x6a: {  	_ =	swait.ge [sflag:s30], $0x4000  }
0x6b: {  	[sflag:s30] =	ssyncset.done $0x0  }
0x6c: {  	[sflag:s30] =	ssyncadd.s32 $0xFFFFC000  }
0x6d: {  	[tilespmem:s15], [sflag:$0x6] =	stream.indirect.gather [hbm4b:s2+s13], $0x80, s31, s13, $0xb8;
	[tilespmem:$0x10400] =	vst v63  }
0x6e: {  	_ =	swait.ge [sflag:s16], $0x4000  }
0x6f: {  	[sflag:s16] =	ssyncset.done $0x0  }
0x70: {  	s0 =	sadd.s32 s6, s8;
	[sflag:s16] =	ssyncadd.s32 $0xFFFFC000  }
0x71: {  	[hbm4b:s0+s3] =	stream.linear.scatter [tilespmem:s17], [sflag:$0x7], $0x4000, $0x38;
	[tilespmem:$0x10400] =	vst v63  }
0x72: {  	_ =	swait.ge [sflag:s18], $0x4000  }
0x73: {  	[sflag:s18] =	ssyncset.done $0x0  }
0x74: {  	s5 =	sadd.s32 $0x800, s0;
	[sflag:s18] =	ssyncadd.s32 $0xFFFFC000  }
0x75: {  	[hbm4b:s5+s3] =	stream.linear.scatter [tilespmem:s19], [sflag:$0x8], $0x4000, $0x38;
	[tilespmem:$0x10400] =	vst v63  }
0x76: {  	_ =	swait.ge [sflag:s20], $0x4000  }
0x77: {  	[sflag:s20] =	ssyncset.done $0x0  }
0x78: {  	s5 =	sadd.s32 $0x1000, s0;
	[sflag:s20] =	ssyncadd.s32 $0xFFFFC000  }
0x79: {  	[hbm4b:s5+s3] =	stream.linear.scatter [tilespmem:s21], [sflag:$0x9], $0x4000, $0x38;
	[tilespmem:$0x10400] =	vst v63  }
.Ltmp2:
0x7a: {  	_ = 	snop;
	(pc) =	sbr.rel @p0 .LBB2_4-.Ltmp2, $4  }
0x7b: {  	_ =	swait.ge [sflag:s22], $0x4000  }
0x7c: {  	[sflag:s22] =	ssyncset.done $0x0  }
0x7d: {  	s0 =	sadd.s32 $0x1800, s0;
	[sflag:s22] =	ssyncadd.s32 $0xFFFFC000  }
0x7e: {  	[hbm4b:s0+s3] =	stream.linear.scatter [tilespmem:s15], [sflag:$0xA], $0x4000, $0x38;
	[tilespmem:$0x10400] =	vst v63  }
.Ltmp3:
0x7f: {  	(pc) =	sbr.rel .LBB2_2-.Ltmp3, $3  }
0x80: {  	_ =	sdelay $0x1  }
0x81: {  	[tilespmem:s11], [sflag:$0x2] =	stream.linear.gather [hbm4b:s7+s3], $0x200, $0x38;
	[tilespmem:$0x10400] =	vst v63  }
0x82: {  	s6 =	sadd.s32 $0x4000, s6;
	s7 =	sadd.s32 $0x80, s7;
	s9 =	sadd.s32 $0x80, s9  }
.LBB2_5:
0x83: {  	_ =	sfence.sel $0x180000  }
0x84: {  	[bflag:$0x0] =	sbarrier.arrive $0xFFFF  }
0x85: {  	_ =	strace $0x90000047  }
0x86: {  	s0 =	stileid.u32;
	[bflag:$0x2] =	sbarrier.arrive $0xFFFF  }
0x87: {  	p0 =	sne.s32 s0, $0x0;
	s0 =	rddreg [dreg:$0x3]  }
0x88: {  	s0 =	sadd.s32 @!p0 $0x100000, s0  }
0x89: {  	[sflag:s0] =	ssyncadd.tile.s32 @!p0 $0x1;
	_ =	shalt  }
.Lfunc_end2:
_tile_overlayer_lowered:
.L_overlay_start_2:
0x8a: {  	(tag) =	ssettag $0x2  }
0x8b: {  	s0 =	rddreg [dreg:$0x0];
	s2 =	stileid.u32  }
0x8c: {  	s1 =	rddreg [dreg:$0x1];
	p0 =	sne.s32 s2, $0x0  }
0x8d: {  	s3 =	rddreg [dreg:$0x2];
	[bflag:$0x3] =	sbarrier.arrive $0xFFFF;
	s2 =	simm.s32 @!p0 $0x1C0B  }
0x8e: {  	[timem:s3], [sflag:s2] =	dma.local @!p0 [hbm:s0], s1  }
0x8f: {  	s0 =	simm.s32 @!p0 $0xB  }
0x90: {  	_ =	swait.ge @!p0 [sflag:s0], s1  }
0x91: {  	s1 =	ssub.s32 @!p0 $0x0, s1;
	[sflag:s0] =	ssyncset.done @!p0 $0x0  }
0x92: {  	[sflag:s0] =	ssyncadd.s32 @!p0 s1  }
0x93: {  	[bflag:$0x3] =	sbarrier.arrive $0xFFFF  }
0x94: {  	_ =	shalt  }

</sc_bundles>
